<compile_context>
chip_gen: v7x
topology: tpu7x:2x2x1
jax: 0.10.2.dev20260603
libtpu: 0.0.44.dev20260713+nightly
codegen_flags: <defaults>
</compile_context>

<pallas_src>
import functools

import jax
import jax.numpy as jnp
from jax import lax
from jax.experimental import pallas as pl
from jax.experimental.pallas import tpu as pltpu
from jax.experimental.pallas import tpu_sc as plsc

_MAX_REL = 128
_EMB = 16
_VOCAB = 2 * _MAX_REL + 1
_LEN = 2048
_SLEN = 2 * _LEN
_NC = 2
_NS = 16
_NW = _NC * _NS
_ROWS_PER_W = _LEN // _NW


@functools.partial(
    pl.kernel,
    out_type=jax.ShapeDtypeStruct((_LEN, 2, 16, 8, 128), jnp.float32),
    mesh=plsc.VectorSubcoreMesh(core_axis_name="c", subcore_axis_name="s"),
    scratch_types=[
        pltpu.VMEM((_VOCAB, _EMB), jnp.float32),
        pltpu.VMEM((2, 8, _SLEN), jnp.float32),
        pltpu.SemaphoreType.DMA,
    ],
    compiler_params=pltpu.CompilerParams(use_tc_tiling_on_sc=False, needs_layout_passes=False),
)
def _rpe_sc(table_hbm, out_hbm, table_v, sarr_v, sem):
    wid = lax.axis_index("s") * _NC + lax.axis_index("c")
    r = wid % 8
    q = wid // 8
    phi = (7 - r) % 8

    pltpu.sync_copy(table_hbm, table_v)

    lane = lax.iota(jnp.int32, 16)

    off_min = 1536 - 512 * q

    def build_e(e, carry):
        ef = jnp.full((16,), e, jnp.int32)
        d0 = e // 8
        d1 = e % 8

        def build_chunk(c, carry2):
            m0 = off_min + 16 * c
            row = jnp.clip(2047 - phi - m0 - lane, -_MAX_REL, _MAX_REL) + _MAX_REL
            v = plsc.load_gather(table_v, [row, ef])
            sarr_v[d0, d1, pl.ds(m0, 16)] = v
            return carry2

        lax.fori_loop(0, 160, build_chunk, 0, unroll=4)
        return carry

    lax.fori_loop(0, _EMB, build_e, 0)

    def copy_plane(k, carry):
        i = r + 512 * q + 8 * k
        off = pl.multiple_of((2047 - i) - phi, 8)
        descs = [
            pltpu.async_copy(
                sarr_v.at[:, :, pl.ds(pl.multiple_of(off + 128 * t, 8), 128)],
                out_hbm.at[i, :, t],
                sem,
            )
            for t in range(16)
        ]
        for d in descs:
            d.wait()
        return carry

    lax.fori_loop(0, _ROWS_PER_W, copy_plane, 0)


def kernel(length, table):
    del length
    out = _rpe_sc(table)
    out = out.transpose(0, 2, 4, 1, 3)
    return out.reshape(_LEN, _LEN, _EMB)

# --- scband reference (transcript-rebuilt; emitter-appended) ---
"""Pipeline reference for scband-relative-position-embeddings-35837207118242 (READ-ONLY COPY).

The authoritative reference and input builder live on the scoring server;
editing this copy changes nothing except your own understanding.
"""

import jax, jax.numpy as jnp
import numpy as np

MAX_REL = 128
EMB_DIM = 16
VOCAB = 2 * MAX_REL + 1
LENGTH = 2048


def setup_inputs(seed: int = 0) -> dict:
    key = jax.random.key(seed)
    # nn.Embedding weight initialized with uniform_ in [0,1), then row 0 zeroed
    table = jax.random.uniform(key, (VOCAB, EMB_DIM), dtype=jnp.float32)
    table = table.at[0].set(0.0)
    return {"length": LENGTH, "table": table}


def reference(length, table):
    # get_relative_position_matrix(length, MAX_REL, direction=True, offset=True)
    range_vec = jnp.arange(LENGTH) + (length - LENGTH)
    # range_mat[i, j] = i ; distance = i - j
    distance_mat = range_vec[:, None] - range_vec[None, :]
    distance_mat_clipped = jnp.clip(distance_mat, -MAX_REL, MAX_REL)
    final_mat = distance_mat_clipped + MAX_REL  # direction=True, offset=True
    # embedding lookup -> [length, length, EMB_DIM]; dropout p=0.0 is identity
    embeddings = jnp.take(table, final_mat, axis=0)
    return embeddings

if __name__ == "__main__":
    import jax
    _d = setup_inputs()
    print(jax.jit(kernel)(*tuple(_d.values())))

</pallas_src>

<mosaic_0001>
#map = affine_map<(d0, d1) -> (0, 0)>
#map1 = affine_map<(d0, d1) -> (0, 0, 0, 0, 0)>
module attributes {stable_mosaic.version = 14 : i64} {
  func.func @_rpe_sc(%arg0: i32, %arg1: i32, %arg2: memref<257x16xf32, #tpu.memory_space<hbm>>, %arg3: memref<2048x2x16x8x128xf32, #tpu.memory_space<hbm>>, %arg4: memref<257x16xf32, #tpu.memory_space<vmem>>, %arg5: memref<2x8x4096xf32, #tpu.memory_space<vmem>>, %arg6: memref<!tpu.dma_semaphore, #tpu.memory_space<semaphore_mem>>) attributes {dimension_semantics = [#tpu.dimension_semantics<core_parallel>, #tpu.dimension_semantics<subcore_parallel>], iteration_bounds = array<i64: 2, 16>, scalar_prefetch = 0 : i64, scratch_operands = 3 : i64, tpu.core_type = #tpu.core_type<sc_vector_subcore>, window_params = [{transform_indices = #map}, {transform_indices = #map1}]} {
    %mul3A = arith.constant 2 : i32
    %mul3A_0 = arith.muli %arg1, %mul3A : i32
    %add3A = arith.addi %mul3A_0, %arg0 : i32
    %jit3A = arith.constant 8 : i32
    %eq3A = arith.constant 0 : i32
    %eq3A_1 = arith.cmpi eq, %jit3A, %eq3A : i32
    %jit3A_2 = arith.constant 1 : i32
    %select_n3A = arith.select %eq3A_1, %jit3A_2, %jit3A : i32
    %rem3A = arith.remsi %add3A, %select_n3A : i32
    %ne3A = arith.constant 0 : i32
    %ne3A_3 = arith.cmpi ne, %rem3A, %ne3A : i32
    %lt3A = arith.constant 0 : i32
    %lt3A_4 = arith.cmpi slt, %rem3A, %lt3A : i32
    %lt3A_5 = arith.constant 0 : i32
    %lt3A_6 = arith.cmpi slt, %select_n3A, %lt3A_5 : i32
    %ne3A_7 = arith.xori %lt3A_4, %lt3A_6 : i1
    %and3A = arith.andi %ne3A_7, %ne3A_3 : i1
    %add3A_8 = arith.addi %rem3A, %select_n3A : i32
    %select_n3A_9 = arith.select %and3A, %add3A_8, %rem3A : i32
    %jit3A_10 = arith.constant 8 : i32
    %div3A = arith.divsi %add3A, %jit3A_10 : i32
    %sign3A = arith.constant 0 : i32
    %sign3A_11 = arith.cmpi sgt, %add3A, %sign3A : i32
    %sign3A_12 = arith.extui %sign3A_11 : i1 to i32
    %sign3A_13 = arith.constant 0 : i32
    %sign3A_14 = arith.cmpi slt, %add3A, %sign3A_13 : i32
    %sign3A_15 = arith.extui %sign3A_14 : i1 to i32
    %sign3A_16 = arith.subi %sign3A_12, %sign3A_15 : i32
    %sign3A_17 = arith.constant 0 : i32
    %sign3A_18 = arith.cmpi sgt, %jit3A_10, %sign3A_17 : i32
    %sign3A_19 = arith.extui %sign3A_18 : i1 to i32
    %sign3A_20 = arith.constant 0 : i32
    %sign3A_21 = arith.cmpi slt, %jit3A_10, %sign3A_20 : i32
    %sign3A_22 = arith.extui %sign3A_21 : i1 to i32
    %sign3A_23 = arith.subi %sign3A_19, %sign3A_22 : i32
    %ne3A_24 = arith.cmpi ne, %sign3A_16, %sign3A_23 : i32
    %rem3A_25 = arith.remsi %add3A, %jit3A_10 : i32
    %ne3A_26 = arith.constant 0 : i32
    %ne3A_27 = arith.cmpi ne, %rem3A_25, %ne3A_26 : i32
    %and3A_28 = arith.andi %ne3A_24, %ne3A_27 : i1
    %sub3A = arith.constant 1 : i32
    %sub3A_29 = arith.subi %div3A, %sub3A : i32
    %select_n3A_30 = arith.select %and3A_28, %sub3A_29, %div3A : i32
    %sub3A_31 = arith.constant 7 : i32
    %sub3A_32 = arith.subi %sub3A_31, %select_n3A_9 : i32
    %jit3A_33 = arith.constant 8 : i32
    %eq3A_34 = arith.constant 0 : i32
    %eq3A_35 = arith.cmpi eq, %jit3A_33, %eq3A_34 : i32
    %jit3A_36 = arith.constant 1 : i32
    %select_n3A_37 = arith.select %eq3A_35, %jit3A_36, %jit3A_33 : i32
    %rem3A_38 = arith.remsi %sub3A_32, %select_n3A_37 : i32
    %ne3A_39 = arith.constant 0 : i32
    %ne3A_40 = arith.cmpi ne, %rem3A_38, %ne3A_39 : i32
    %lt3A_41 = arith.constant 0 : i32
    %lt3A_42 = arith.cmpi slt, %rem3A_38, %lt3A_41 : i32
    %lt3A_43 = arith.constant 0 : i32
    %lt3A_44 = arith.cmpi slt, %select_n3A_37, %lt3A_43 : i32
    %ne3A_45 = arith.xori %lt3A_42, %lt3A_44 : i1
    %and3A_46 = arith.andi %ne3A_45, %ne3A_40 : i1
    %add3A_47 = arith.addi %rem3A_38, %select_n3A_37 : i32
    %select_n3A_48 = arith.select %and3A_46, %add3A_47, %rem3A_38 : i32
    "tpu.region"() ({
      %run_scoped3A = tpu.sem_alloc : memref<!tpu.dma_semaphore, #tpu.memory_space<semaphore_mem>>
      tpu.enqueue_dma source(%arg2 : memref<257x16xf32, #tpu.memory_space<hbm>>) target(%arg4 : memref<257x16xf32, #tpu.memory_space<vmem>>) target_semaphore(%run_scoped3A : memref<!tpu.dma_semaphore, #tpu.memory_space<semaphore_mem>>)
      tpu.wait_dma2 semaphore(%run_scoped3A : memref<!tpu.dma_semaphore, #tpu.memory_space<semaphore_mem>>) src(%arg2 : memref<257x16xf32, #tpu.memory_space<hbm>>) dst(%arg4 : memref<257x16xf32, #tpu.memory_space<vmem>>)
      tpu.yield
    }) : () -> ()
    %iota3A = tpu.iota {dimensions = array<i32: 0>} : vector<16xi32>
    %mul3A_49 = arith.constant 512 : i32
    %mul3A_50 = arith.muli %mul3A_49, %select_n3A_30 : i32
    %sub3A_51 = arith.constant 1536 : i32
    %sub3A_52 = arith.subi %sub3A_51, %mul3A_50 : i32
    %scan3A = arith.constant 0 : i32
    %scan3A_53 = arith.constant 0 : i32
    %scan3A_54 = arith.constant 16 : i32
    %scan3A_55 = arith.addi %scan3A_53, %scan3A_54 : i32
    %scan3A_56 = arith.constant 1 : i32
    scf.for %scan3A_64 = %scan3A_53 to %scan3A_55 step %scan3A_56  : i32 {
      %broadcast_in_dim3A = vector.broadcast %scan3A_64 : i32 to vector<16xi32>
      %jit3A_65 = arith.constant 8 : i32
      %div3A_66 = arith.divsi %scan3A_64, %jit3A_65 : i32
      %sign3A_67 = arith.constant 0 : i32
      %sign3A_68 = arith.cmpi sgt, %scan3A_64, %sign3A_67 : i32
      %sign3A_69 = arith.extui %sign3A_68 : i1 to i32
      %sign3A_70 = arith.constant 0 : i32
      %sign3A_71 = arith.cmpi slt, %scan3A_64, %sign3A_70 : i32
      %sign3A_72 = arith.extui %sign3A_71 : i1 to i32
      %sign3A_73 = arith.subi %sign3A_69, %sign3A_72 : i32
      %sign3A_74 = arith.constant 0 : i32
      %sign3A_75 = arith.cmpi sgt, %jit3A_65, %sign3A_74 : i32
      %sign3A_76 = arith.extui %sign3A_75 : i1 to i32
      %sign3A_77 = arith.constant 0 : i32
      %sign3A_78 = arith.cmpi slt, %jit3A_65, %sign3A_77 : i32
      %sign3A_79 = arith.extui %sign3A_78 : i1 to i32
      %sign3A_80 = arith.subi %sign3A_76, %sign3A_79 : i32
      %ne3A_81 = arith.cmpi ne, %sign3A_73, %sign3A_80 : i32
      %rem3A_82 = arith.remsi %scan3A_64, %jit3A_65 : i32
      %ne3A_83 = arith.constant 0 : i32
      %ne3A_84 = arith.cmpi ne, %rem3A_82, %ne3A_83 : i32
      %and3A_85 = arith.andi %ne3A_81, %ne3A_84 : i1
      %sub3A_86 = arith.constant 1 : i32
      %sub3A_87 = arith.subi %div3A_66, %sub3A_86 : i32
      %select_n3A_88 = arith.select %and3A_85, %sub3A_87, %div3A_66 : i32
      %jit3A_89 = arith.constant 8 : i32
      %eq3A_90 = arith.constant 0 : i32
      %eq3A_91 = arith.cmpi eq, %jit3A_89, %eq3A_90 : i32
      %jit3A_92 = arith.constant 1 : i32
      %select_n3A_93 = arith.select %eq3A_91, %jit3A_92, %jit3A_89 : i32
      %rem3A_94 = arith.remsi %scan3A_64, %select_n3A_93 : i32
      %ne3A_95 = arith.constant 0 : i32
      %ne3A_96 = arith.cmpi ne, %rem3A_94, %ne3A_95 : i32
      %lt3A_97 = arith.constant 0 : i32
      %lt3A_98 = arith.cmpi slt, %rem3A_94, %lt3A_97 : i32
      %lt3A_99 = arith.constant 0 : i32
      %lt3A_100 = arith.cmpi slt, %select_n3A_93, %lt3A_99 : i32
      %ne3A_101 = arith.xori %lt3A_98, %lt3A_100 : i1
      %and3A_102 = arith.andi %ne3A_101, %ne3A_96 : i1
      %add3A_103 = arith.addi %rem3A_94, %select_n3A_93 : i32
      %select_n3A_104 = arith.select %and3A_102, %add3A_103, %rem3A_94 : i32
      %scan3A_105 = arith.constant 0 : i32
      %scan3A_106 = arith.constant 0 : i32
      %scan3A_107 = arith.constant 160 : i32
      %scan3A_108 = arith.addi %scan3A_106, %scan3A_107 : i32
      %scan3A_109 = arith.constant 4 : i32
      scf.for %scan3A_111 = %scan3A_106 to %scan3A_108 step %scan3A_109  : i32 {
        %mul3A_112 = arith.constant 16 : i32
        %mul3A_113 = arith.muli %mul3A_112, %scan3A_111 : i32
        %add3A_114 = arith.addi %sub3A_52, %mul3A_113 : i32
        %sub3A_115 = arith.constant 2047 : i32
        %sub3A_116 = arith.subi %sub3A_115, %select_n3A_48 : i32
        %sub3A_117 = arith.subi %sub3A_116, %add3A_114 : i32
        %sub3A_118 = vector.broadcast %sub3A_117 : i32 to vector<16xi32>
        %sub3A_119 = arith.subi %sub3A_118, %iota3A : vector<16xi32>
        %jit3A_120 = arith.constant -128 : i32
        %jit3A_121 = arith.constant 128 : i32
        %max3A = vector.broadcast %jit3A_120 : i32 to vector<16xi32>
        %max3A_122 = arith.maxsi %max3A, %sub3A_119 : vector<16xi32>
        %min3A = vector.broadcast %jit3A_121 : i32 to vector<16xi32>
        %min3A_123 = arith.minsi %min3A, %max3A_122 : vector<16xi32>
        %add3A_124 = arith.constant 128 : i32
        %add3A_125 = vector.broadcast %add3A_124 : i32 to vector<16xi32>
        %add3A_126 = arith.addi %min3A_123, %add3A_125 : vector<16xi32>
        %gather3A = tpu.vector_load_idx %arg4[%add3A_126, %broadcast_in_dim3A] : memref<257x16xf32, #tpu.memory_space<vmem>>[vector<16xi32>, vector<16xi32>], vector<16xf32>,
        %swap3A = arith.index_cast %select_n3A_88 : i32 to index
        %swap3A_127 = arith.index_cast %select_n3A_104 : i32 to index
        %swap3A_128 = arith.index_cast %add3A_114 : i32 to index
        %swap3A_129 = tpu.vector_load %arg5[%swap3A, %swap3A_127, %swap3A_128] {strides = array<i32>} : memref<2x8x4096xf32, #tpu.memory_space<vmem>>, vector<16xf32>,
        tpu.vector_store %arg5[%swap3A, %swap3A_127, %swap3A_128], %gather3A {strides = array<i32>} : memref<2x8x4096xf32, #tpu.memory_space<vmem>>, vector<16xf32>,
        %scan3A_130 = arith.constant 1 : i32
        %scan3A_131 = arith.addi %scan3A_111, %scan3A_130 : i32
        %mul3A_132 = arith.constant 16 : i32
        %mul3A_133 = arith.muli %mul3A_132, %scan3A_131 : i32
        %add3A_134 = arith.addi %sub3A_52, %mul3A_133 : i32
        %sub3A_135 = arith.constant 2047 : i32
        %sub3A_136 = arith.subi %sub3A_135, %select_n3A_48 : i32
        %sub3A_137 = arith.subi %sub3A_136, %add3A_134 : i32
        %sub3A_138 = vector.broadcast %sub3A_137 : i32 to vector<16xi32>
        %sub3A_139 = arith.subi %sub3A_138, %iota3A : vector<16xi32>
        %jit3A_140 = arith.constant -128 : i32
        %jit3A_141 = arith.constant 128 : i32
        %max3A_142 = vector.broadcast %jit3A_140 : i32 to vector<16xi32>
        %max3A_143 = arith.maxsi %max3A_142, %sub3A_139 : vector<16xi32>
        %min3A_144 = vector.broadcast %jit3A_141 : i32 to vector<16xi32>
        %min3A_145 = arith.minsi %min3A_144, %max3A_143 : vector<16xi32>
        %add3A_146 = arith.constant 128 : i32
        %add3A_147 = vector.broadcast %add3A_146 : i32 to vector<16xi32>
        %add3A_148 = arith.addi %min3A_145, %add3A_147 : vector<16xi32>
        %gather3A_149 = tpu.vector_load_idx %arg4[%add3A_148, %broadcast_in_dim3A] : memref<257x16xf32, #tpu.memory_space<vmem>>[vector<16xi32>, vector<16xi32>], vector<16xf32>,
        %swap3A_150 = arith.index_cast %select_n3A_88 : i32 to index
        %swap3A_151 = arith.index_cast %select_n3A_104 : i32 to index
        %swap3A_152 = arith.index_cast %add3A_134 : i32 to index
        %swap3A_153 = tpu.vector_load %arg5[%swap3A_150, %swap3A_151, %swap3A_152] {strides = array<i32>} : memref<2x8x4096xf32, #tpu.memory_space<vmem>>, vector<16xf32>,
        tpu.vector_store %arg5[%swap3A_150, %swap3A_151, %swap3A_152], %gather3A_149 {strides = array<i32>} : memref<2x8x4096xf32, #tpu.memory_space<vmem>>, vector<16xf32>,
        %scan3A_154 = arith.constant 2 : i32
        %scan3A_155 = arith.addi %scan3A_111, %scan3A_154 : i32
        %mul3A_156 = arith.constant 16 : i32
        %mul3A_157 = arith.muli %mul3A_156, %scan3A_155 : i32
        %add3A_158 = arith.addi %sub3A_52, %mul3A_157 : i32
        %sub3A_159 = arith.constant 2047 : i32
        %sub3A_160 = arith.subi %sub3A_159, %select_n3A_48 : i32
        %sub3A_161 = arith.subi %sub3A_160, %add3A_158 : i32
        %sub3A_162 = vector.broadcast %sub3A_161 : i32 to vector<16xi32>
        %sub3A_163 = arith.subi %sub3A_162, %iota3A : vector<16xi32>
        %jit3A_164 = arith.constant -128 : i32
        %jit3A_165 = arith.constant 128 : i32
        %max3A_166 = vector.broadcast %jit3A_164 : i32 to vector<16xi32>
        %max3A_167 = arith.maxsi %max3A_166, %sub3A_163 : vector<16xi32>
        %min3A_168 = vector.broadcast %jit3A_165 : i32 to vector<16xi32>
        %min3A_169 = arith.minsi %min3A_168, %max3A_167 : vector<16xi32>
        %add3A_170 = arith.constant 128 : i32
        %add3A_171 = vector.broadcast %add3A_170 : i32 to vector<16xi32>
        %add3A_172 = arith.addi %min3A_169, %add3A_171 : vector<16xi32>
        %gather3A_173 = tpu.vector_load_idx %arg4[%add3A_172, %broadcast_in_dim3A] : memref<257x16xf32, #tpu.memory_space<vmem>>[vector<16xi32>, vector<16xi32>], vector<16xf32>,
        %swap3A_174 = arith.index_cast %select_n3A_88 : i32 to index
        %swap3A_175 = arith.index_cast %select_n3A_104 : i32 to index
        %swap3A_176 = arith.index_cast %add3A_158 : i32 to index
        %swap3A_177 = tpu.vector_load %arg5[%swap3A_174, %swap3A_175, %swap3A_176] {strides = array<i32>} : memref<2x8x4096xf32, #tpu.memory_space<vmem>>, vector<16xf32>,
        tpu.vector_store %arg5[%swap3A_174, %swap3A_175, %swap3A_176], %gather3A_173 {strides = array<i32>} : memref<2x8x4096xf32, #tpu.memory_space<vmem>>, vector<16xf32>,
        %scan3A_178 = arith.constant 3 : i32
        %scan3A_179 = arith.addi %scan3A_111, %scan3A_178 : i32
        %mul3A_180 = arith.constant 16 : i32
        %mul3A_181 = arith.muli %mul3A_180, %scan3A_179 : i32
        %add3A_182 = arith.addi %sub3A_52, %mul3A_181 : i32
        %sub3A_183 = arith.constant 2047 : i32
        %sub3A_184 = arith.subi %sub3A_183, %select_n3A_48 : i32
        %sub3A_185 = arith.subi %sub3A_184, %add3A_182 : i32
        %sub3A_186 = vector.broadcast %sub3A_185 : i32 to vector<16xi32>
        %sub3A_187 = arith.subi %sub3A_186, %iota3A : vector<16xi32>
        %jit3A_188 = arith.constant -128 : i32
        %jit3A_189 = arith.constant 128 : i32
        %max3A_190 = vector.broadcast %jit3A_188 : i32 to vector<16xi32>
        %max3A_191 = arith.maxsi %max3A_190, %sub3A_187 : vector<16xi32>
        %min3A_192 = vector.broadcast %jit3A_189 : i32 to vector<16xi32>
        %min3A_193 = arith.minsi %min3A_192, %max3A_191 : vector<16xi32>
        %add3A_194 = arith.constant 128 : i32
        %add3A_195 = vector.broadcast %add3A_194 : i32 to vector<16xi32>
        %add3A_196 = arith.addi %min3A_193, %add3A_195 : vector<16xi32>
        %gather3A_197 = tpu.vector_load_idx %arg4[%add3A_196, %broadcast_in_dim3A] : memref<257x16xf32, #tpu.memory_space<vmem>>[vector<16xi32>, vector<16xi32>], vector<16xf32>,
        %swap3A_198 = arith.index_cast %select_n3A_88 : i32 to index
        %swap3A_199 = arith.index_cast %select_n3A_104 : i32 to index
        %swap3A_200 = arith.index_cast %add3A_182 : i32 to index
        %swap3A_201 = tpu.vector_load %arg5[%swap3A_198, %swap3A_199, %swap3A_200] {strides = array<i32>} : memref<2x8x4096xf32, #tpu.memory_space<vmem>>, vector<16xf32>,
        tpu.vector_store %arg5[%swap3A_198, %swap3A_199, %swap3A_200], %gather3A_197 {strides = array<i32>} : memref<2x8x4096xf32, #tpu.memory_space<vmem>>, vector<16xf32>,
      }
      %scan3A_110 = arith.constant 160 : i32
    }
    %scan3A_57 = arith.constant 16 : i32
    %scan3A_58 = arith.constant 0 : i32
    %scan3A_59 = arith.constant 0 : i32
    %scan3A_60 = arith.constant 64 : i32
    %scan3A_61 = arith.addi %scan3A_59, %scan3A_60 : i32
    %scan3A_62 = arith.constant 1 : i32
    scf.for %scan3A_64 = %scan3A_59 to %scan3A_61 step %scan3A_62  : i32 {
      %mul3A_65 = arith.constant 512 : i32
      %mul3A_66 = arith.muli %mul3A_65, %select_n3A_30 : i32
      %add3A_67 = arith.addi %select_n3A_9, %mul3A_66 : i32
      %mul3A_68 = arith.constant 8 : i32
      %mul3A_69 = arith.muli %mul3A_68, %scan3A_64 : i32
      %add3A_70 = arith.addi %add3A_67, %mul3A_69 : i32
      %sub3A_71 = arith.constant 2047 : i32
      %sub3A_72 = arith.subi %sub3A_71, %add3A_70 : i32
      %sub3A_73 = arith.subi %sub3A_72, %select_n3A_48 : i32
      %multiple_of3A = tpu.assume_multiple %sub3A_73, 8 : i32
      %add3A_74 = arith.constant 0 : i32
      %add3A_75 = arith.addi %multiple_of3A, %add3A_74 : i32
      %multiple_of3A_76 = tpu.assume_multiple %add3A_75, 8 : i32
      %dma_start3A = arith.constant 0 : i32
      %dma_start3A_77 = arith.constant 0 : i32
      %dma_start3A_78 = arith.constant 0 : i32
      %dma_start3A_79 = tpu.memref_slice %arg5[%dma_start3A_77, %dma_start3A_78, %multiple_of3A_76] : memref<2x8x4096xf32, #tpu.memory_space<vmem>> -> memref<2x8x128xf32, #tpu.memory_space<vmem>>
      %dma_start3A_80 = arith.constant 0 : i32
      %dma_start3A_81 = arith.constant 0 : i32
      %dma_start3A_82 = arith.constant 0 : i32
      %dma_start3A_83 = tpu.memref_slice %arg3[%add3A_70, %dma_start3A_80, %dma_start3A, %dma_start3A_81, %dma_start3A_82] : memref<2048x2x16x8x128xf32, #tpu.memory_space<hbm>> -> memref<1x2x1x8x128xf32, #tpu.memory_space<hbm>>
      %dma_start3A_84 = tpu.memref_squeeze %dma_start3A_83 : memref<1x2x1x8x128xf32, #tpu.memory_space<hbm>> -> memref<2x8x128xf32, #tpu.memory_space<hbm>>
      %dma_start3A_85 = arith.constant 0 : i32
      %dma_start3A_86 = arith.constant 0 : i32
      %dma_start3A_87 = arith.constant 0 : i32
      %dma_start3A_88 = tpu.memref_slice %arg3[%add3A_70, %dma_start3A_85, %dma_start3A, %dma_start3A_86, %dma_start3A_87] : memref<2048x2x16x8x128xf32, #tpu.memory_space<hbm>> -> memref<1x2x1x8x128xf32, #tpu.memory_space<hbm>>
      %dma_start3A_89 = tpu.memref_squeeze %dma_start3A_88 : memref<1x2x1x8x128xf32, #tpu.memory_space<hbm>> -> memref<2x8x128xf32, #tpu.memory_space<hbm>>
      %dma_start3A_90 = arith.constant 0 : i32
      %dma_start3A_91 = arith.constant 0 : i32
      %dma_start3A_92 = tpu.memref_slice %arg5[%dma_start3A_90, %dma_start3A_91, %multiple_of3A_76] : memref<2x8x4096xf32, #tpu.memory_space<vmem>> -> memref<2x8x128xf32, #tpu.memory_space<vmem>>
      tpu.enqueue_dma source(%dma_start3A_92 : memref<2x8x128xf32, #tpu.memory_space<vmem>>) target(%dma_start3A_89 : memref<2x8x128xf32, #tpu.memory_space<hbm>>) target_semaphore(%arg6 : memref<!tpu.dma_semaphore, #tpu.memory_space<semaphore_mem>>)
      %add3A_93 = arith.constant 128 : i32
      %add3A_94 = arith.addi %multiple_of3A, %add3A_93 : i32
      %multiple_of3A_95 = tpu.assume_multiple %add3A_94, 8 : i32
      %dma_start3A_96 = arith.constant 1 : i32
      %dma_start3A_97 = arith.constant 0 : i32
      %dma_start3A_98 = arith.constant 0 : i32
      %dma_start3A_99 = tpu.memref_slice %arg5[%dma_start3A_97, %dma_start3A_98, %multiple_of3A_95] : memref<2x8x4096xf32, #tpu.memory_space<vmem>> -> memref<2x8x128xf32, #tpu.memory_space<vmem>>
      %dma_start3A_100 = arith.constant 0 : i32
      %dma_start3A_101 = arith.constant 0 : i32
      %dma_start3A_102 = arith.constant 0 : i32
      %dma_start3A_103 = tpu.memref_slice %arg3[%add3A_70, %dma_start3A_100, %dma_start3A_96, %dma_start3A_101, %dma_start3A_102] : memref<2048x2x16x8x128xf32, #tpu.memory_space<hbm>> -> memref<1x2x1x8x128xf32, #tpu.memory_space<hbm>>
      %dma_start3A_104 = tpu.memref_squeeze %dma_start3A_103 : memref<1x2x1x8x128xf32, #tpu.memory_space<hbm>> -> memref<2x8x128xf32, #tpu.memory_space<hbm>>
      %dma_start3A_105 = arith.constant 0 : i32
      %dma_start3A_106 = arith.constant 0 : i32
      %dma_start3A_107 = arith.constant 0 : i32
      %dma_start3A_108 = tpu.memref_slice %arg3[%add3A_70, %dma_start3A_105, %dma_start3A_96, %dma_start3A_106, %dma_start3A_107] : memref<2048x2x16x8x128xf32, #tpu.memory_space<hbm>> -> memref<1x2x1x8x128xf32, #tpu.memory_space<hbm>>
      %dma_start3A_109 = tpu.memref_squeeze %dma_start3A_108 : memref<1x2x1x8x128xf32, #tpu.memory_space<hbm>> -> memref<2x8x128xf32, #tpu.memory_space<hbm>>
      %dma_start3A_110 = arith.constant 0 : i32
      %dma_start3A_111 = arith.constant 0 : i32
      %dma_start3A_112 = tpu.memref_slice %arg5[%dma_start3A_110, %dma_start3A_111, %multiple_of3A_95] : memref<2x8x4096xf32, #tpu.memory_space<vmem>> -> memref<2x8x128xf32, #tpu.memory_space<vmem>>
      tpu.enqueue_dma source(%dma_start3A_112 : memref<2x8x128xf32, #tpu.memory_space<vmem>>) target(%dma_start3A_109 : memref<2x8x128xf32, #tpu.memory_space<hbm>>) target_semaphore(%arg6 : memref<!tpu.dma_semaphore, #tpu.memory_space<semaphore_mem>>)
      %add3A_113 = arith.constant 256 : i32
      %add3A_114 = arith.addi %multiple_of3A, %add3A_113 : i32
      %multiple_of3A_115 = tpu.assume_multiple %add3A_114, 8 : i32
      %dma_start3A_116 = arith.constant 2 : i32
      %dma_start3A_117 = arith.constant 0 : i32
      %dma_start3A_118 = arith.constant 0 : i32
      %dma_start3A_119 = tpu.memref_slice %arg5[%dma_start3A_117, %dma_start3A_118, %multiple_of3A_115] : memref<2x8x4096xf32, #tpu.memory_space<vmem>> -> memref<2x8x128xf32, #tpu.memory_space<vmem>>
      %dma_start3A_120 = arith.constant 0 : i32
      %dma_start3A_121 = arith.constant 0 : i32
      %dma_start3A_122 = arith.constant 0 : i32
      %dma_start3A_123 = tpu.memref_slice %arg3[%add3A_70, %dma_start3A_120, %dma_start3A_116, %dma_start3A_121, %dma_start3A_122] : memref<2048x2x16x8x128xf32, #tpu.memory_space<hbm>> -> memref<1x2x1x8x128xf32, #tpu.memory_space<hbm>>
      %dma_start3A_124 = tpu.memref_squeeze %dma_start3A_123 : memref<1x2x1x8x128xf32, #tpu.memory_space<hbm>> -> memref<2x8x128xf32, #tpu.memory_space<hbm>>
      %dma_start3A_125 = arith.constant 0 : i32
      %dma_start3A_126 = arith.constant 0 : i32
      %dma_start3A_127 = arith.constant 0 : i32
      %dma_start3A_128 = tpu.memref_slice %arg3[%add3A_70, %dma_start3A_125, %dma_start3A_116, %dma_start3A_126, %dma_start3A_127] : memref<2048x2x16x8x128xf32, #tpu.memory_space<hbm>> -> memref<1x2x1x8x128xf32, #tpu.memory_space<hbm>>
      %dma_start3A_129 = tpu.memref_squeeze %dma_start3A_128 : memref<1x2x1x8x128xf32, #tpu.memory_space<hbm>> -> memref<2x8x128xf32, #tpu.memory_space<hbm>>
      %dma_start3A_130 = arith.constant 0 : i32
      %dma_start3A_131 = arith.constant 0 : i32
      %dma_start3A_132 = tpu.memref_slice %arg5[%dma_start3A_130, %dma_start3A_131, %multiple_of3A_115] : memref<2x8x4096xf32, #tpu.memory_space<vmem>> -> memref<2x8x128xf32, #tpu.memory_space<vmem>>
      tpu.enqueue_dma source(%dma_start3A_132 : memref<2x8x128xf32, #tpu.memory_space<vmem>>) target(%dma_start3A_129 : memref<2x8x128xf32, #tpu.memory_space<hbm>>) target_semaphore(%arg6 : memref<!tpu.dma_semaphore, #tpu.memory_space<semaphore_mem>>)
      %add3A_133 = arith.constant 384 : i32
      %add3A_134 = arith.addi %multiple_of3A, %add3A_133 : i32
      %multiple_of3A_135 = tpu.assume_multiple %add3A_134, 8 : i32
      %dma_start3A_136 = arith.constant 3 : i32
      %dma_start3A_137 = arith.constant 0 : i32
      %dma_start3A_138 = arith.constant 0 : i32
      %dma_start3A_139 = tpu.memref_slice %arg5[%dma_start3A_137, %dma_start3A_138, %multiple_of3A_135] : memref<2x8x4096xf32, #tpu.memory_space<vmem>> -> memref<2x8x128xf32, #tpu.memory_space<vmem>>
      %dma_start3A_140 = arith.constant 0 : i32
      %dma_start3A_141 = arith.constant 0 : i32
      %dma_start3A_142 = arith.constant 0 : i32
      %dma_start3A_143 = tpu.memref_slice %arg3[%add3A_70, %dma_start3A_140, %dma_start3A_136, %dma_start3A_141, %dma_start3A_142] : memref<2048x2x16x8x128xf32, #tpu.memory_space<hbm>> -> memref<1x2x1x8x128xf32, #tpu.memory_space<hbm>>
      %dma_start3A_144 = tpu.memref_squeeze %dma_start3A_143 : memref<1x2x1x8x128xf32, #tpu.memory_space<hbm>> -> memref<2x8x128xf32, #tpu.memory_space<hbm>>
      %dma_start3A_145 = arith.constant 0 : i32
      %dma_start3A_146 = arith.constant 0 : i32
      %dma_start3A_147 = arith.constant 0 : i32
      %dma_start3A_148 = tpu.memref_slice %arg3[%add3A_70, %dma_start3A_145, %dma_start3A_136, %dma_start3A_146, %dma_start3A_147] : memref<2048x2x16x8x128xf32, #tpu.memory_space<hbm>> -> memref<1x2x1x8x128xf32, #tpu.memory_space<hbm>>
      %dma_start3A_149 = tpu.memref_squeeze %dma_start3A_148 : memref<1x2x1x8x128xf32, #tpu.memory_space<hbm>> -> memref<2x8x128xf32, #tpu.memory_space<hbm>>
      %dma_start3A_150 = arith.constant 0 : i32
      %dma_start3A_151 = arith.constant 0 : i32
      %dma_start3A_152 = tpu.memref_slice %arg5[%dma_start3A_150, %dma_start3A_151, %multiple_of3A_135] : memref<2x8x4096xf32, #tpu.memory_space<vmem>> -> memref<2x8x128xf32, #tpu.memory_space<vmem>>
      tpu.enqueue_dma source(%dma_start3A_152 : memref<2x8x128xf32, #tpu.memory_space<vmem>>) target(%dma_start3A_149 : memref<2x8x128xf32, #tpu.memory_space<hbm>>) target_semaphore(%arg6 : memref<!tpu.dma_semaphore, #tpu.memory_space<semaphore_mem>>)
      %add3A_153 = arith.constant 512 : i32
      %add3A_154 = arith.addi %multiple_of3A, %add3A_153 : i32
      %multiple_of3A_155 = tpu.assume_multiple %add3A_154, 8 : i32
      %dma_start3A_156 = arith.constant 4 : i32
      %dma_start3A_157 = arith.constant 0 : i32
      %dma_start3A_158 = arith.constant 0 : i32
      %dma_start3A_159 = tpu.memref_slice %arg5[%dma_start3A_157, %dma_start3A_158, %multiple_of3A_155] : memref<2x8x4096xf32, #tpu.memory_space<vmem>> -> memref<2x8x128xf32, #tpu.memory_space<vmem>>
      %dma_start3A_160 = arith.constant 0 : i32
      %dma_start3A_161 = arith.constant 0 : i32
      %dma_start3A_162 = arith.constant 0 : i32
      %dma_start3A_163 = tpu.memref_slice %arg3[%add3A_70, %dma_start3A_160, %dma_start3A_156, %dma_start3A_161, %dma_start3A_162] : memref<2048x2x16x8x128xf32, #tpu.memory_space<hbm>> -> memref<1x2x1x8x128xf32, #tpu.memory_space<hbm>>
      %dma_start3A_164 = tpu.memref_squeeze %dma_start3A_163 : memref<1x2x1x8x128xf32, #tpu.memory_space<hbm>> -> memref<2x8x128xf32, #tpu.memory_space<hbm>>
      %dma_start3A_165 = arith.constant 0 : i32
      %dma_start3A_166 = arith.constant 0 : i32
      %dma_start3A_167 = arith.constant 0 : i32
      %dma_start3A_168 = tpu.memref_slice %arg3[%add3A_70, %dma_start3A_165, %dma_start3A_156, %dma_start3A_166, %dma_start3A_167] : memref<2048x2x16x8x128xf32, #tpu.memory_space<hbm>> -> memref<1x2x1x8x128xf32, #tpu.memory_space<hbm>>
      %dma_start3A_169 = tpu.memref_squeeze %dma_start3A_168 : memref<1x2x1x8x128xf32, #tpu.memory_space<hbm>> -> memref<2x8x128xf32, #tpu.memory_space<hbm>>
      %dma_start3A_170 = arith.constant 0 : i32
      %dma_start3A_171 = arith.constant 0 : i32
      %dma_start3A_172 = tpu.memref_slice %arg5[%dma_start3A_170, %dma_start3A_171, %multiple_of3A_155] : memref<2x8x4096xf32, #tpu.memory_space<vmem>> -> memref<2x8x128xf32, #tpu.memory_space<vmem>>
      tpu.enqueue_dma source(%dma_start3A_172 : memref<2x8x128xf32, #tpu.memory_space<vmem>>) target(%dma_start3A_169 : memref<2x8x128xf32, #tpu.memory_space<hbm>>) target_semaphore(%arg6 : memref<!tpu.dma_semaphore, #tpu.memory_space<semaphore_mem>>)
      %add3A_173 = arith.constant 640 : i32
      %add3A_174 = arith.addi %multiple_of3A, %add3A_173 : i32
      %multiple_of3A_175 = tpu.assume_multiple %add3A_174, 8 : i32
      %dma_start3A_176 = arith.constant 5 : i32
      %dma_start3A_177 = arith.constant 0 : i32
      %dma_start3A_178 = arith.constant 0 : i32
      %dma_start3A_179 = tpu.memref_slice %arg5[%dma_start3A_177, %dma_start3A_178, %multiple_of3A_175] : memref<2x8x4096xf32, #tpu.memory_space<vmem>> -> memref<2x8x128xf32, #tpu.memory_space<vmem>>
      %dma_start3A_180 = arith.constant 0 : i32
      %dma_start3A_181 = arith.constant 0 : i32
      %dma_start3A_182 = arith.constant 0 : i32
      %dma_start3A_183 = tpu.memref_slice %arg3[%add3A_70, %dma_start3A_180, %dma_start3A_176, %dma_start3A_181, %dma_start3A_182] : memref<2048x2x16x8x128xf32, #tpu.memory_space<hbm>> -> memref<1x2x1x8x128xf32, #tpu.memory_space<hbm>>
      %dma_start3A_184 = tpu.memref_squeeze %dma_start3A_183 : memref<1x2x1x8x128xf32, #tpu.memory_space<hbm>> -> memref<2x8x128xf32, #tpu.memory_space<hbm>>
      %dma_start3A_185 = arith.constant 0 : i32
      %dma_start3A_186 = arith.constant 0 : i32
      %dma_start3A_187 = arith.constant 0 : i32
      %dma_start3A_188 = tpu.memref_slice %arg3[%add3A_70, %dma_start3A_185, %dma_start3A_176, %dma_start3A_186, %dma_start3A_187] : memref<2048x2x16x8x128xf32, #tpu.memory_space<hbm>> -> memref<1x2x1x8x128xf32, #tpu.memory_space<hbm>>
      %dma_start3A_189 = tpu.memref_squeeze %dma_start3A_188 : memref<1x2x1x8x128xf32, #tpu.memory_space<hbm>> -> memref<2x8x128xf32, #tpu.memory_space<hbm>>
      %dma_start3A_190 = arith.constant 0 : i32
      %dma_start3A_191 = arith.constant 0 : i32
      %dma_start3A_192 = tpu.memref_slice %arg5[%dma_start3A_190, %dma_start3A_191, %multiple_of3A_175] : memref<2x8x4096xf32, #tpu.memory_space<vmem>> -> memref<2x8x128xf32, #tpu.memory_space<vmem>>
      tpu.enqueue_dma source(%dma_start3A_192 : memref<2x8x128xf32, #tpu.memory_space<vmem>>) target(%dma_start3A_189 : memref<2x8x128xf32, #tpu.memory_space<hbm>>) target_semaphore(%arg6 : memref<!tpu.dma_semaphore, #tpu.memory_space<semaphore_mem>>)
      %add3A_193 = arith.constant 768 : i32
      %add3A_194 = arith.addi %multiple_of3A, %add3A_193 : i32
      %multiple_of3A_195 = tpu.assume_multiple %add3A_194, 8 : i32
      %dma_start3A_196 = arith.constant 6 : i32
      %dma_start3A_197 = arith.constant 0 : i32
      %dma_start3A_198 = arith.constant 0 : i32
      %dma_start3A_199 = tpu.memref_slice %arg5[%dma_start3A_197, %dma_start3A_198, %multiple_of3A_195] : memref<2x8x4096xf32, #tpu.memory_space<vmem>> -> memref<2x8x128xf32, #tpu.memory_space<vmem>>
      %dma_start3A_200 = arith.constant 0 : i32
      %dma_start3A_201 = arith.constant 0 : i32
      %dma_start3A_202 = arith.constant 0 : i32
      %dma_start3A_203 = tpu.memref_slice %arg3[%add3A_70, %dma_start3A_200, %dma_start3A_196, %dma_start3A_201, %dma_start3A_202] : memref<2048x2x16x8x128xf32, #tpu.memory_space<hbm>> -> memref<1x2x1x8x128xf32, #tpu.memory_space<hbm>>
      %dma_start3A_204 = tpu.memref_squeeze %dma_start3A_203 : memref<1x2x1x8x128xf32, #tpu.memory_space<hbm>> -> memref<2x8x128xf32, #tpu.memory_space<hbm>>
      %dma_start3A_205 = arith.constant 0 : i32
      %dma_start3A_206 = arith.constant 0 : i32
      %dma_start3A_207 = arith.constant 0 : i32
      %dma_start3A_208 = tpu.memref_slice %arg3[%add3A_70, %dma_start3A_205, %dma_start3A_196, %dma_start3A_206, %dma_start3A_207] : memref<2048x2x16x8x128xf32, #tpu.memory_space<hbm>> -> memref<1x2x1x8x128xf32, #tpu.memory_space<hbm>>
      %dma_start3A_209 = tpu.memref_squeeze %dma_start3A_208 : memref<1x2x1x8x128xf32, #tpu.memory_space<hbm>> -> memref<2x8x128xf32, #tpu.memory_space<hbm>>
      %dma_start3A_210 = arith.constant 0 : i32
      %dma_start3A_211 = arith.constant 0 : i32
      %dma_start3A_212 = tpu.memref_slice %arg5[%dma_start3A_210, %dma_start3A_211, %multiple_of3A_195] : memref<2x8x4096xf32, #tpu.memory_space<vmem>> -> memref<2x8x128xf32, #tpu.memory_space<vmem>>
      tpu.enqueue_dma source(%dma_start3A_212 : memref<2x8x128xf32, #tpu.memory_space<vmem>>) target(%dma_start3A_209 : memref<2x8x128xf32, #tpu.memory_space<hbm>>) target_semaphore(%arg6 : memref<!tpu.dma_semaphore, #tpu.memory_space<semaphore_mem>>)
      %add3A_213 = arith.constant 896 : i32
      %add3A_214 = arith.addi %multiple_of3A, %add3A_213 : i32
      %multiple_of3A_215 = tpu.assume_multiple %add3A_214, 8 : i32
      %dma_start3A_216 = arith.constant 7 : i32
      %dma_start3A_217 = arith.constant 0 : i32
      %dma_start3A_218 = arith.constant 0 : i32
      %dma_start3A_219 = tpu.memref_slice %arg5[%dma_start3A_217, %dma_start3A_218, %multiple_of3A_215] : memref<2x8x4096xf32, #tpu.memory_space<vmem>> -> memref<2x8x128xf32, #tpu.memory_space<vmem>>
      %dma_start3A_220 = arith.constant 0 : i32
      %dma_start3A_221 = arith.constant 0 : i32
      %dma_start3A_222 = arith.constant 0 : i32
      %dma_start3A_223 = tpu.memref_slice %arg3[%add3A_70, %dma_start3A_220, %dma_start3A_216, %dma_start3A_221, %dma_start3A_222] : memref<2048x2x16x8x128xf32, #tpu.memory_space<hbm>> -> memref<1x2x1x8x128xf32, #tpu.memory_space<hbm>>
      %dma_start3A_224 = tpu.memref_squeeze %dma_start3A_223 : memref<1x2x1x8x128xf32, #tpu.memory_space<hbm>> -> memref<2x8x128xf32, #tpu.memory_space<hbm>>
      %dma_start3A_225 = arith.constant 0 : i32
      %dma_start3A_226 = arith.constant 0 : i32
      %dma_start3A_227 = arith.constant 0 : i32
      %dma_start3A_228 = tpu.memref_slice %arg3[%add3A_70, %dma_start3A_225, %dma_start3A_216, %dma_start3A_226, %dma_start3A_227] : memref<2048x2x16x8x128xf32, #tpu.memory_space<hbm>> -> memref<1x2x1x8x128xf32, #tpu.memory_space<hbm>>
      %dma_start3A_229 = tpu.memref_squeeze %dma_start3A_228 : memref<1x2x1x8x128xf32, #tpu.memory_space<hbm>> -> memref<2x8x128xf32, #tpu.memory_space<hbm>>
      %dma_start3A_230 = arith.constant 0 : i32
      %dma_start3A_231 = arith.constant 0 : i32
      %dma_start3A_232 = tpu.memref_slice %arg5[%dma_start3A_230, %dma_start3A_231, %multiple_of3A_215] : memref<2x8x4096xf32, #tpu.memory_space<vmem>> -> memref<2x8x128xf32, #tpu.memory_space<vmem>>
      tpu.enqueue_dma source(%dma_start3A_232 : memref<2x8x128xf32, #tpu.memory_space<vmem>>) target(%dma_start3A_229 : memref<2x8x128xf32, #tpu.memory_space<hbm>>) target_semaphore(%arg6 : memref<!tpu.dma_semaphore, #tpu.memory_space<semaphore_mem>>)
      %add3A_233 = arith.constant 1024 : i32
      %add3A_234 = arith.addi %multiple_of3A, %add3A_233 : i32
      %multiple_of3A_235 = tpu.assume_multiple %add3A_234, 8 : i32
      %dma_start3A_236 = arith.constant 8 : i32
      %dma_start3A_237 = arith.constant 0 : i32
      %dma_start3A_238 = arith.constant 0 : i32
      %dma_start3A_239 = tpu.memref_slice %arg5[%dma_start3A_237, %dma_start3A_238, %multiple_of3A_235] : memref<2x8x4096xf32, #tpu.memory_space<vmem>> -> memref<2x8x128xf32, #tpu.memory_space<vmem>>
      %dma_start3A_240 = arith.constant 0 : i32
      %dma_start3A_241 = arith.constant 0 : i32
      %dma_start3A_242 = arith.constant 0 : i32
      %dma_start3A_243 = tpu.memref_slice %arg3[%add3A_70, %dma_start3A_240, %dma_start3A_236, %dma_start3A_241, %dma_start3A_242] : memref<2048x2x16x8x128xf32, #tpu.memory_space<hbm>> -> memref<1x2x1x8x128xf32, #tpu.memory_space<hbm>>
      %dma_start3A_244 = tpu.memref_squeeze %dma_start3A_243 : memref<1x2x1x8x128xf32, #tpu.memory_space<hbm>> -> memref<2x8x128xf32, #tpu.memory_space<hbm>>
      %dma_start3A_245 = arith.constant 0 : i32
      %dma_start3A_246 = arith.constant 0 : i32
      %dma_start3A_247 = arith.constant 0 : i32
      %dma_start3A_248 = tpu.memref_slice %arg3[%add3A_70, %dma_start3A_245, %dma_start3A_236, %dma_start3A_246, %dma_start3A_247] : memref<2048x2x16x8x128xf32, #tpu.memory_space<hbm>> -> memref<1x2x1x8x128xf32, #tpu.memory_space<hbm>>
      %dma_start3A_249 = tpu.memref_squeeze %dma_start3A_248 : memref<1x2x1x8x128xf32, #tpu.memory_space<hbm>> -> memref<2x8x128xf32, #tpu.memory_space<hbm>>
      %dma_start3A_250 = arith.constant 0 : i32
      %dma_start3A_251 = arith.constant 0 : i32
      %dma_start3A_252 = tpu.memref_slice %arg5[%dma_start3A_250, %dma_start3A_251, %multiple_of3A_235] : memref<2x8x4096xf32, #tpu.memory_space<vmem>> -> memref<2x8x128xf32, #tpu.memory_space<vmem>>
      tpu.enqueue_dma source(%dma_start3A_252 : memref<2x8x128xf32, #tpu.memory_space<vmem>>) target(%dma_start3A_249 : memref<2x8x128xf32, #tpu.memory_space<hbm>>) target_semaphore(%arg6 : memref<!tpu.dma_semaphore, #tpu.memory_space<semaphore_mem>>)
      %add3A_253 = arith.constant 1152 : i32
      %add3A_254 = arith.addi %multiple_of3A, %add3A_253 : i32
      %multiple_of3A_255 = tpu.assume_multiple %add3A_254, 8 : i32
      %dma_start3A_256 = arith.constant 9 : i32
      %dma_start3A_257 = arith.constant 0 : i32
      %dma_start3A_258 = arith.constant 0 : i32
      %dma_start3A_259 = tpu.memref_slice %arg5[%dma_start3A_257, %dma_start3A_258, %multiple_of3A_255] : memref<2x8x4096xf32, #tpu.memory_space<vmem>> -> memref<2x8x128xf32, #tpu.memory_space<vmem>>
      %dma_start3A_260 = arith.constant 0 : i32
      %dma_start3A_261 = arith.constant 0 : i32
      %dma_start3A_262 = arith.constant 0 : i32
      %dma_start3A_263 = tpu.memref_slice %arg3[%add3A_70, %dma_start3A_260, %dma_start3A_256, %dma_start3A_261, %dma_start3A_262] : memref<2048x2x16x8x128xf32, #tpu.memory_space<hbm>> -> memref<1x2x1x8x128xf32, #tpu.memory_space<hbm>>
      %dma_start3A_264 = tpu.memref_squeeze %dma_start3A_263 : memref<1x2x1x8x128xf32, #tpu.memory_space<hbm>> -> memref<2x8x128xf32, #tpu.memory_space<hbm>>
      %dma_start3A_265 = arith.constant 0 : i32
      %dma_start3A_266 = arith.constant 0 : i32
      %dma_start3A_267 = arith.constant 0 : i32
      %dma_start3A_268 = tpu.memref_slice %arg3[%add3A_70, %dma_start3A_265, %dma_start3A_256, %dma_start3A_266, %dma_start3A_267] : memref<2048x2x16x8x128xf32, #tpu.memory_space<hbm>> -> memref<1x2x1x8x128xf32, #tpu.memory_space<hbm>>
      %dma_start3A_269 = tpu.memref_squeeze %dma_start3A_268 : memref<1x2x1x8x128xf32, #tpu.memory_space<hbm>> -> memref<2x8x128xf32, #tpu.memory_space<hbm>>
      %dma_start3A_270 = arith.constant 0 : i32
      %dma_start3A_271 = arith.constant 0 : i32
      %dma_start3A_272 = tpu.memref_slice %arg5[%dma_start3A_270, %dma_start3A_271, %multiple_of3A_255] : memref<2x8x4096xf32, #tpu.memory_space<vmem>> -> memref<2x8x128xf32, #tpu.memory_space<vmem>>
      tpu.enqueue_dma source(%dma_start3A_272 : memref<2x8x128xf32, #tpu.memory_space<vmem>>) target(%dma_start3A_269 : memref<2x8x128xf32, #tpu.memory_space<hbm>>) target_semaphore(%arg6 : memref<!tpu.dma_semaphore, #tpu.memory_space<semaphore_mem>>)
      %add3A_273 = arith.constant 1280 : i32
      %add3A_274 = arith.addi %multiple_of3A, %add3A_273 : i32
      %multiple_of3A_275 = tpu.assume_multiple %add3A_274, 8 : i32
      %dma_start3A_276 = arith.constant 10 : i32
      %dma_start3A_277 = arith.constant 0 : i32
      %dma_start3A_278 = arith.constant 0 : i32
      %dma_start3A_279 = tpu.memref_slice %arg5[%dma_start3A_277, %dma_start3A_278, %multiple_of3A_275] : memref<2x8x4096xf32, #tpu.memory_space<vmem>> -> memref<2x8x128xf32, #tpu.memory_space<vmem>>
      %dma_start3A_280 = arith.constant 0 : i32
      %dma_start3A_281 = arith.constant 0 : i32
      %dma_start3A_282 = arith.constant 0 : i32
      %dma_start3A_283 = tpu.memref_slice %arg3[%add3A_70, %dma_start3A_280, %dma_start3A_276, %dma_start3A_281, %dma_start3A_282] : memref<2048x2x16x8x128xf32, #tpu.memory_space<hbm>> -> memref<1x2x1x8x128xf32, #tpu.memory_space<hbm>>
      %dma_start3A_284 = tpu.memref_squeeze %dma_start3A_283 : memref<1x2x1x8x128xf32, #tpu.memory_space<hbm>> -> memref<2x8x128xf32, #tpu.memory_space<hbm>>
      %dma_start3A_285 = arith.constant 0 : i32
      %dma_start3A_286 = arith.constant 0 : i32
      %dma_start3A_287 = arith.constant 0 : i32
      %dma_start3A_288 = tpu.memref_slice %arg3[%add3A_70, %dma_start3A_285, %dma_start3A_276, %dma_start3A_286, %dma_start3A_287] : memref<2048x2x16x8x128xf32, #tpu.memory_space<hbm>> -> memref<1x2x1x8x128xf32, #tpu.memory_space<hbm>>
      %dma_start3A_289 = tpu.memref_squeeze %dma_start3A_288 : memref<1x2x1x8x128xf32, #tpu.memory_space<hbm>> -> memref<2x8x128xf32, #tpu.memory_space<hbm>>
      %dma_start3A_290 = arith.constant 0 : i32
      %dma_start3A_291 = arith.constant 0 : i32
      %dma_start3A_292 = tpu.memref_slice %arg5[%dma_start3A_290, %dma_start3A_291, %multiple_of3A_275] : memref<2x8x4096xf32, #tpu.memory_space<vmem>> -> memref<2x8x128xf32, #tpu.memory_space<vmem>>
      tpu.enqueue_dma source(%dma_start3A_292 : memref<2x8x128xf32, #tpu.memory_space<vmem>>) target(%dma_start3A_289 : memref<2x8x128xf32, #tpu.memory_space<hbm>>) target_semaphore(%arg6 : memref<!tpu.dma_semaphore, #tpu.memory_space<semaphore_mem>>)
      %add3A_293 = arith.constant 1408 : i32
      %add3A_294 = arith.addi %multiple_of3A, %add3A_293 : i32
      %multiple_of3A_295 = tpu.assume_multiple %add3A_294, 8 : i32
      %dma_start3A_296 = arith.constant 11 : i32
      %dma_start3A_297 = arith.constant 0 : i32
      %dma_start3A_298 = arith.constant 0 : i32
      %dma_start3A_299 = tpu.memref_slice %arg5[%dma_start3A_297, %dma_start3A_298, %multiple_of3A_295] : memref<2x8x4096xf32, #tpu.memory_space<vmem>> -> memref<2x8x128xf32, #tpu.memory_space<vmem>>
      %dma_start3A_300 = arith.constant 0 : i32
      %dma_start3A_301 = arith.constant 0 : i32
      %dma_start3A_302 = arith.constant 0 : i32
      %dma_start3A_303 = tpu.memref_slice %arg3[%add3A_70, %dma_start3A_300, %dma_start3A_296, %dma_start3A_301, %dma_start3A_302] : memref<2048x2x16x8x128xf32, #tpu.memory_space<hbm>> -> memref<1x2x1x8x128xf32, #tpu.memory_space<hbm>>
      %dma_start3A_304 = tpu.memref_squeeze %dma_start3A_303 : memref<1x2x1x8x128xf32, #tpu.memory_space<hbm>> -> memref<2x8x128xf32, #tpu.memory_space<hbm>>
      %dma_start3A_305 = arith.constant 0 : i32
      %dma_start3A_306 = arith.constant 0 : i32
      %dma_start3A_307 = arith.constant 0 : i32
      %dma_start3A_308 = tpu.memref_slice %arg3[%add3A_70, %dma_start3A_305, %dma_start3A_296, %dma_start3A_306, %dma_start3A_307] : memref<2048x2x16x8x128xf32, #tpu.memory_space<hbm>> -> memref<1x2x1x8x128xf32, #tpu.memory_space<hbm>>
      %dma_start3A_309 = tpu.memref_squeeze %dma_start3A_308 : memref<1x2x1x8x128xf32, #tpu.memory_space<hbm>> -> memref<2x8x128xf32, #tpu.memory_space<hbm>>
      %dma_start3A_310 = arith.constant 0 : i32
      %dma_start3A_311 = arith.constant 0 : i32
      %dma_start3A_312 = tpu.memref_slice %arg5[%dma_start3A_310, %dma_start3A_311, %multiple_of3A_295] : memref<2x8x4096xf32, #tpu.memory_space<vmem>> -> memref<2x8x128xf32, #tpu.memory_space<vmem>>
      tpu.enqueue_dma source(%dma_start3A_312 : memref<2x8x128xf32, #tpu.memory_space<vmem>>) target(%dma_start3A_309 : memref<2x8x128xf32, #tpu.memory_space<hbm>>) target_semaphore(%arg6 : memref<!tpu.dma_semaphore, #tpu.memory_space<semaphore_mem>>)
      %add3A_313 = arith.constant 1536 : i32
      %add3A_314 = arith.addi %multiple_of3A, %add3A_313 : i32
      %multiple_of3A_315 = tpu.assume_multiple %add3A_314, 8 : i32
      %dma_start3A_316 = arith.constant 12 : i32
      %dma_start3A_317 = arith.constant 0 : i32
      %dma_start3A_318 = arith.constant 0 : i32
      %dma_start3A_319 = tpu.memref_slice %arg5[%dma_start3A_317, %dma_start3A_318, %multiple_of3A_315] : memref<2x8x4096xf32, #tpu.memory_space<vmem>> -> memref<2x8x128xf32, #tpu.memory_space<vmem>>
      %dma_start3A_320 = arith.constant 0 : i32
      %dma_start3A_321 = arith.constant 0 : i32
      %dma_start3A_322 = arith.constant 0 : i32
      %dma_start3A_323 = tpu.memref_slice %arg3[%add3A_70, %dma_start3A_320, %dma_start3A_316, %dma_start3A_321, %dma_start3A_322] : memref<2048x2x16x8x128xf32, #tpu.memory_space<hbm>> -> memref<1x2x1x8x128xf32, #tpu.memory_space<hbm>>
      %dma_start3A_324 = tpu.memref_squeeze %dma_start3A_323 : memref<1x2x1x8x128xf32, #tpu.memory_space<hbm>> -> memref<2x8x128xf32, #tpu.memory_space<hbm>>
      %dma_start3A_325 = arith.constant 0 : i32
      %dma_start3A_326 = arith.constant 0 : i32
      %dma_start3A_327 = arith.constant 0 : i32
      %dma_start3A_328 = tpu.memref_slice %arg3[%add3A_70, %dma_start3A_325, %dma_start3A_316, %dma_start3A_326, %dma_start3A_327] : memref<2048x2x16x8x128xf32, #tpu.memory_space<hbm>> -> memref<1x2x1x8x128xf32, #tpu.memory_space<hbm>>
      %dma_start3A_329 = tpu.memref_squeeze %dma_start3A_328 : memref<1x2x1x8x128xf32, #tpu.memory_space<hbm>> -> memref<2x8x128xf32, #tpu.memory_space<hbm>>
      %dma_start3A_330 = arith.constant 0 : i32
      %dma_start3A_331 = arith.constant 0 : i32
      %dma_start3A_332 = tpu.memref_slice %arg5[%dma_start3A_330, %dma_start3A_331, %multiple_of3A_315] : memref<2x8x4096xf32, #tpu.memory_space<vmem>> -> memref<2x8x128xf32, #tpu.memory_space<vmem>>
      tpu.enqueue_dma source(%dma_start3A_332 : memref<2x8x128xf32, #tpu.memory_space<vmem>>) target(%dma_start3A_329 : memref<2x8x128xf32, #tpu.memory_space<hbm>>) target_semaphore(%arg6 : memref<!tpu.dma_semaphore, #tpu.memory_space<semaphore_mem>>)
      %add3A_333 = arith.constant 1664 : i32
      %add3A_334 = arith.addi %multiple_of3A, %add3A_333 : i32
      %multiple_of3A_335 = tpu.assume_multiple %add3A_334, 8 : i32
      %dma_start3A_336 = arith.constant 13 : i32
      %dma_start3A_337 = arith.constant 0 : i32
      %dma_start3A_338 = arith.constant 0 : i32
      %dma_start3A_339 = tpu.memref_slice %arg5[%dma_start3A_337, %dma_start3A_338, %multiple_of3A_335] : memref<2x8x4096xf32, #tpu.memory_space<vmem>> -> memref<2x8x128xf32, #tpu.memory_space<vmem>>
      %dma_start3A_340 = arith.constant 0 : i32
      %dma_start3A_341 = arith.constant 0 : i32
      %dma_start3A_342 = arith.constant 0 : i32
      %dma_start3A_343 = tpu.memref_slice %arg3[%add3A_70, %dma_start3A_340, %dma_start3A_336, %dma_start3A_341, %dma_start3A_342] : memref<2048x2x16x8x128xf32, #tpu.memory_space<hbm>> -> memref<1x2x1x8x128xf32, #tpu.memory_space<hbm>>
      %dma_start3A_344 = tpu.memref_squeeze %dma_start3A_343 : memref<1x2x1x8x128xf32, #tpu.memory_space<hbm>> -> memref<2x8x128xf32, #tpu.memory_space<hbm>>
      %dma_start3A_345 = arith.constant 0 : i32
      %dma_start3A_346 = arith.constant 0 : i32
      %dma_start3A_347 = arith.constant 0 : i32
      %dma_start3A_348 = tpu.memref_slice %arg3[%add3A_70, %dma_start3A_345, %dma_start3A_336, %dma_start3A_346, %dma_start3A_347] : memref<2048x2x16x8x128xf32, #tpu.memory_space<hbm>> -> memref<1x2x1x8x128xf32, #tpu.memory_space<hbm>>
      %dma_start3A_349 = tpu.memref_squeeze %dma_start3A_348 : memref<1x2x1x8x128xf32, #tpu.memory_space<hbm>> -> memref<2x8x128xf32, #tpu.memory_space<hbm>>
      %dma_start3A_350 = arith.constant 0 : i32
      %dma_start3A_351 = arith.constant 0 : i32
      %dma_start3A_352 = tpu.memref_slice %arg5[%dma_start3A_350, %dma_start3A_351, %multiple_of3A_335] : memref<2x8x4096xf32, #tpu.memory_space<vmem>> -> memref<2x8x128xf32, #tpu.memory_space<vmem>>
      tpu.enqueue_dma source(%dma_start3A_352 : memref<2x8x128xf32, #tpu.memory_space<vmem>>) target(%dma_start3A_349 : memref<2x8x128xf32, #tpu.memory_space<hbm>>) target_semaphore(%arg6 : memref<!tpu.dma_semaphore, #tpu.memory_space<semaphore_mem>>)
      %add3A_353 = arith.constant 1792 : i32
      %add3A_354 = arith.addi %multiple_of3A, %add3A_353 : i32
      %multiple_of3A_355 = tpu.assume_multiple %add3A_354, 8 : i32
      %dma_start3A_356 = arith.constant 14 : i32
      %dma_start3A_357 = arith.constant 0 : i32
      %dma_start3A_358 = arith.constant 0 : i32
      %dma_start3A_359 = tpu.memref_slice %arg5[%dma_start3A_357, %dma_start3A_358, %multiple_of3A_355] : memref<2x8x4096xf32, #tpu.memory_space<vmem>> -> memref<2x8x128xf32, #tpu.memory_space<vmem>>
      %dma_start3A_360 = arith.constant 0 : i32
      %dma_start3A_361 = arith.constant 0 : i32
      %dma_start3A_362 = arith.constant 0 : i32
      %dma_start3A_363 = tpu.memref_slice %arg3[%add3A_70, %dma_start3A_360, %dma_start3A_356, %dma_start3A_361, %dma_start3A_362] : memref<2048x2x16x8x128xf32, #tpu.memory_space<hbm>> -> memref<1x2x1x8x128xf32, #tpu.memory_space<hbm>>
      %dma_start3A_364 = tpu.memref_squeeze %dma_start3A_363 : memref<1x2x1x8x128xf32, #tpu.memory_space<hbm>> -> memref<2x8x128xf32, #tpu.memory_space<hbm>>
      %dma_start3A_365 = arith.constant 0 : i32
      %dma_start3A_366 = arith.constant 0 : i32
      %dma_start3A_367 = arith.constant 0 : i32
      %dma_start3A_368 = tpu.memref_slice %arg3[%add3A_70, %dma_start3A_365, %dma_start3A_356, %dma_start3A_366, %dma_start3A_367] : memref<2048x2x16x8x128xf32, #tpu.memory_space<hbm>> -> memref<1x2x1x8x128xf32, #tpu.memory_space<hbm>>
      %dma_start3A_369 = tpu.memref_squeeze %dma_start3A_368 : memref<1x2x1x8x128xf32, #tpu.memory_space<hbm>> -> memref<2x8x128xf32, #tpu.memory_space<hbm>>
      %dma_start3A_370 = arith.constant 0 : i32
      %dma_start3A_371 = arith.constant 0 : i32
      %dma_start3A_372 = tpu.memref_slice %arg5[%dma_start3A_370, %dma_start3A_371, %multiple_of3A_355] : memref<2x8x4096xf32, #tpu.memory_space<vmem>> -> memref<2x8x128xf32, #tpu.memory_space<vmem>>
      tpu.enqueue_dma source(%dma_start3A_372 : memref<2x8x128xf32, #tpu.memory_space<vmem>>) target(%dma_start3A_369 : memref<2x8x128xf32, #tpu.memory_space<hbm>>) target_semaphore(%arg6 : memref<!tpu.dma_semaphore, #tpu.memory_space<semaphore_mem>>)
      %add3A_373 = arith.constant 1920 : i32
      %add3A_374 = arith.addi %multiple_of3A, %add3A_373 : i32
      %multiple_of3A_375 = tpu.assume_multiple %add3A_374, 8 : i32
      %dma_start3A_376 = arith.constant 15 : i32
      %dma_start3A_377 = arith.constant 0 : i32
      %dma_start3A_378 = arith.constant 0 : i32
      %dma_start3A_379 = tpu.memref_slice %arg5[%dma_start3A_377, %dma_start3A_378, %multiple_of3A_375] : memref<2x8x4096xf32, #tpu.memory_space<vmem>> -> memref<2x8x128xf32, #tpu.memory_space<vmem>>
      %dma_start3A_380 = arith.constant 0 : i32
      %dma_start3A_381 = arith.constant 0 : i32
      %dma_start3A_382 = arith.constant 0 : i32
      %dma_start3A_383 = tpu.memref_slice %arg3[%add3A_70, %dma_start3A_380, %dma_start3A_376, %dma_start3A_381, %dma_start3A_382] : memref<2048x2x16x8x128xf32, #tpu.memory_space<hbm>> -> memref<1x2x1x8x128xf32, #tpu.memory_space<hbm>>
      %dma_start3A_384 = tpu.memref_squeeze %dma_start3A_383 : memref<1x2x1x8x128xf32, #tpu.memory_space<hbm>> -> memref<2x8x128xf32, #tpu.memory_space<hbm>>
      %dma_start3A_385 = arith.constant 0 : i32
      %dma_start3A_386 = arith.constant 0 : i32
      %dma_start3A_387 = arith.constant 0 : i32
      %dma_start3A_388 = tpu.memref_slice %arg3[%add3A_70, %dma_start3A_385, %dma_start3A_376, %dma_start3A_386, %dma_start3A_387] : memref<2048x2x16x8x128xf32, #tpu.memory_space<hbm>> -> memref<1x2x1x8x128xf32, #tpu.memory_space<hbm>>
      %dma_start3A_389 = tpu.memref_squeeze %dma_start3A_388 : memref<1x2x1x8x128xf32, #tpu.memory_space<hbm>> -> memref<2x8x128xf32, #tpu.memory_space<hbm>>
      %dma_start3A_390 = arith.constant 0 : i32
      %dma_start3A_391 = arith.constant 0 : i32
      %dma_start3A_392 = tpu.memref_slice %arg5[%dma_start3A_390, %dma_start3A_391, %multiple_of3A_375] : memref<2x8x4096xf32, #tpu.memory_space<vmem>> -> memref<2x8x128xf32, #tpu.memory_space<vmem>>
      tpu.enqueue_dma source(%dma_start3A_392 : memref<2x8x128xf32, #tpu.memory_space<vmem>>) target(%dma_start3A_389 : memref<2x8x128xf32, #tpu.memory_space<hbm>>) target_semaphore(%arg6 : memref<!tpu.dma_semaphore, #tpu.memory_space<semaphore_mem>>)
      %dma_wait3A = arith.constant 0 : i32
      %dma_wait3A_393 = arith.constant 0 : i32
      %dma_wait3A_394 = arith.constant 0 : i32
      %dma_wait3A_395 = tpu.memref_slice %arg5[%dma_wait3A_393, %dma_wait3A_394, %multiple_of3A_76] : memref<2x8x4096xf32, #tpu.memory_space<vmem>> -> memref<2x8x128xf32, #tpu.memory_space<vmem>>
      %dma_wait3A_396 = arith.constant 0 : i32
      %dma_wait3A_397 = arith.constant 0 : i32
      %dma_wait3A_398 = arith.constant 0 : i32
      %dma_wait3A_399 = tpu.memref_slice %arg3[%add3A_70, %dma_wait3A_396, %dma_wait3A, %dma_wait3A_397, %dma_wait3A_398] : memref<2048x2x16x8x128xf32, #tpu.memory_space<hbm>> -> memref<1x2x1x8x128xf32, #tpu.memory_space<hbm>>
      %dma_wait3A_400 = tpu.memref_squeeze %dma_wait3A_399 : memref<1x2x1x8x128xf32, #tpu.memory_space<hbm>> -> memref<2x8x128xf32, #tpu.memory_space<hbm>>
      %dma_wait3A_401 = arith.constant 0 : i32
      %dma_wait3A_402 = arith.constant 0 : i32
      %dma_wait3A_403 = arith.constant 0 : i32
      %dma_wait3A_404 = tpu.memref_slice %arg3[%add3A_70, %dma_wait3A_401, %dma_wait3A, %dma_wait3A_402, %dma_wait3A_403] : memref<2048x2x16x8x128xf32, #tpu.memory_space<hbm>> -> memref<1x2x1x8x128xf32, #tpu.memory_space<hbm>>
      %dma_wait3A_405 = tpu.memref_squeeze %dma_wait3A_404 : memref<1x2x1x8x128xf32, #tpu.memory_space<hbm>> -> memref<2x8x128xf32, #tpu.memory_space<hbm>>
      %dma_wait3A_406 = arith.constant 0 : i32
      %dma_wait3A_407 = arith.constant 0 : i32
      %dma_wait3A_408 = tpu.memref_slice %arg5[%dma_wait3A_406, %dma_wait3A_407, %multiple_of3A_76] : memref<2x8x4096xf32, #tpu.memory_space<vmem>> -> memref<2x8x128xf32, #tpu.memory_space<vmem>>
      tpu.wait_dma2 semaphore(%arg6 : memref<!tpu.dma_semaphore, #tpu.memory_space<semaphore_mem>>) src(%dma_wait3A_408 : memref<2x8x128xf32, #tpu.memory_space<vmem>>) dst(%dma_wait3A_405 : memref<2x8x128xf32, #tpu.memory_space<hbm>>)
      %dma_wait3A_409 = arith.constant 1 : i32
      %dma_wait3A_410 = arith.constant 0 : i32
      %dma_wait3A_411 = arith.constant 0 : i32
      %dma_wait3A_412 = tpu.memref_slice %arg5[%dma_wait3A_410, %dma_wait3A_411, %multiple_of3A_95] : memref<2x8x4096xf32, #tpu.memory_space<vmem>> -> memref<2x8x128xf32, #tpu.memory_space<vmem>>
      %dma_wait3A_413 = arith.constant 0 : i32
      %dma_wait3A_414 = arith.constant 0 : i32
      %dma_wait3A_415 = arith.constant 0 : i32
      %dma_wait3A_416 = tpu.memref_slice %arg3[%add3A_70, %dma_wait3A_413, %dma_wait3A_409, %dma_wait3A_414, %dma_wait3A_415] : memref<2048x2x16x8x128xf32, #tpu.memory_space<hbm>> -> memref<1x2x1x8x128xf32, #tpu.memory_space<hbm>>
      %dma_wait3A_417 = tpu.memref_squeeze %dma_wait3A_416 : memref<1x2x1x8x128xf32, #tpu.memory_space<hbm>> -> memref<2x8x128xf32, #tpu.memory_space<hbm>>
      %dma_wait3A_418 = arith.constant 0 : i32
      %dma_wait3A_419 = arith.constant 0 : i32
      %dma_wait3A_420 = arith.constant 0 : i32
      %dma_wait3A_421 = tpu.memref_slice %arg3[%add3A_70, %dma_wait3A_418, %dma_wait3A_409, %dma_wait3A_419, %dma_wait3A_420] : memref<2048x2x16x8x128xf32, #tpu.memory_space<hbm>> -> memref<1x2x1x8x128xf32, #tpu.memory_space<hbm>>
      %dma_wait3A_422 = tpu.memref_squeeze %dma_wait3A_421 : memref<1x2x1x8x128xf32, #tpu.memory_space<hbm>> -> memref<2x8x128xf32, #tpu.memory_space<hbm>>
      %dma_wait3A_423 = arith.constant 0 : i32
      %dma_wait3A_424 = arith.constant 0 : i32
      %dma_wait3A_425 = tpu.memref_slice %arg5[%dma_wait3A_423, %dma_wait3A_424, %multiple_of3A_95] : memref<2x8x4096xf32, #tpu.memory_space<vmem>> -> memref<2x8x128xf32, #tpu.memory_space<vmem>>
      tpu.wait_dma2 semaphore(%arg6 : memref<!tpu.dma_semaphore, #tpu.memory_space<semaphore_mem>>) src(%dma_wait3A_425 : memref<2x8x128xf32, #tpu.memory_space<vmem>>) dst(%dma_wait3A_422 : memref<2x8x128xf32, #tpu.memory_space<hbm>>)
      %dma_wait3A_426 = arith.constant 2 : i32
      %dma_wait3A_427 = arith.constant 0 : i32
      %dma_wait3A_428 = arith.constant 0 : i32
      %dma_wait3A_429 = tpu.memref_slice %arg5[%dma_wait3A_427, %dma_wait3A_428, %multiple_of3A_115] : memref<2x8x4096xf32, #tpu.memory_space<vmem>> -> memref<2x8x128xf32, #tpu.memory_space<vmem>>
      %dma_wait3A_430 = arith.constant 0 : i32
      %dma_wait3A_431 = arith.constant 0 : i32
      %dma_wait3A_432 = arith.constant 0 : i32
      %dma_wait3A_433 = tpu.memref_slice %arg3[%add3A_70, %dma_wait3A_430, %dma_wait3A_426, %dma_wait3A_431, %dma_wait3A_432] : memref<2048x2x16x8x128xf32, #tpu.memory_space<hbm>> -> memref<1x2x1x8x128xf32, #tpu.memory_space<hbm>>
      %dma_wait3A_434 = tpu.memref_squeeze %dma_wait3A_433 : memref<1x2x1x8x128xf32, #tpu.memory_space<hbm>> -> memref<2x8x128xf32, #tpu.memory_space<hbm>>
      %dma_wait3A_435 = arith.constant 0 : i32
      %dma_wait3A_436 = arith.constant 0 : i32
      %dma_wait3A_437 = arith.constant 0 : i32
      %dma_wait3A_438 = tpu.memref_slice %arg3[%add3A_70, %dma_wait3A_435, %dma_wait3A_426, %dma_wait3A_436, %dma_wait3A_437] : memref<2048x2x16x8x128xf32, #tpu.memory_space<hbm>> -> memref<1x2x1x8x128xf32, #tpu.memory_space<hbm>>
      %dma_wait3A_439 = tpu.memref_squeeze %dma_wait3A_438 : memref<1x2x1x8x128xf32, #tpu.memory_space<hbm>> -> memref<2x8x128xf32, #tpu.memory_space<hbm>>
      %dma_wait3A_440 = arith.constant 0 : i32
      %dma_wait3A_441 = arith.constant 0 : i32
      %dma_wait3A_442 = tpu.memref_slice %arg5[%dma_wait3A_440, %dma_wait3A_441, %multiple_of3A_115] : memref<2x8x4096xf32, #tpu.memory_space<vmem>> -> memref<2x8x128xf32, #tpu.memory_space<vmem>>
      tpu.wait_dma2 semaphore(%arg6 : memref<!tpu.dma_semaphore, #tpu.memory_space<semaphore_mem>>) src(%dma_wait3A_442 : memref<2x8x128xf32, #tpu.memory_space<vmem>>) dst(%dma_wait3A_439 : memref<2x8x128xf32, #tpu.memory_space<hbm>>)
      %dma_wait3A_443 = arith.constant 3 : i32
      %dma_wait3A_444 = arith.constant 0 : i32
      %dma_wait3A_445 = arith.constant 0 : i32
      %dma_wait3A_446 = tpu.memref_slice %arg5[%dma_wait3A_444, %dma_wait3A_445, %multiple_of3A_135] : memref<2x8x4096xf32, #tpu.memory_space<vmem>> -> memref<2x8x128xf32, #tpu.memory_space<vmem>>
      %dma_wait3A_447 = arith.constant 0 : i32
      %dma_wait3A_448 = arith.constant 0 : i32
      %dma_wait3A_449 = arith.constant 0 : i32
      %dma_wait3A_450 = tpu.memref_slice %arg3[%add3A_70, %dma_wait3A_447, %dma_wait3A_443, %dma_wait3A_448, %dma_wait3A_449] : memref<2048x2x16x8x128xf32, #tpu.memory_space<hbm>> -> memref<1x2x1x8x128xf32, #tpu.memory_space<hbm>>
      %dma_wait3A_451 = tpu.memref_squeeze %dma_wait3A_450 : memref<1x2x1x8x128xf32, #tpu.memory_space<hbm>> -> memref<2x8x128xf32, #tpu.memory_space<hbm>>
      %dma_wait3A_452 = arith.constant 0 : i32
      %dma_wait3A_453 = arith.constant 0 : i32
      %dma_wait3A_454 = arith.constant 0 : i32
      %dma_wait3A_455 = tpu.memref_slice %arg3[%add3A_70, %dma_wait3A_452, %dma_wait3A_443, %dma_wait3A_453, %dma_wait3A_454] : memref<2048x2x16x8x128xf32, #tpu.memory_space<hbm>> -> memref<1x2x1x8x128xf32, #tpu.memory_space<hbm>>
      %dma_wait3A_456 = tpu.memref_squeeze %dma_wait3A_455 : memref<1x2x1x8x128xf32, #tpu.memory_space<hbm>> -> memref<2x8x128xf32, #tpu.memory_space<hbm>>
      %dma_wait3A_457 = arith.constant 0 : i32
      %dma_wait3A_458 = arith.constant 0 : i32
      %dma_wait3A_459 = tpu.memref_slice %arg5[%dma_wait3A_457, %dma_wait3A_458, %multiple_of3A_135] : memref<2x8x4096xf32, #tpu.memory_space<vmem>> -> memref<2x8x128xf32, #tpu.memory_space<vmem>>
      tpu.wait_dma2 semaphore(%arg6 : memref<!tpu.dma_semaphore, #tpu.memory_space<semaphore_mem>>) src(%dma_wait3A_459 : memref<2x8x128xf32, #tpu.memory_space<vmem>>) dst(%dma_wait3A_456 : memref<2x8x128xf32, #tpu.memory_space<hbm>>)
      %dma_wait3A_460 = arith.constant 4 : i32
      %dma_wait3A_461 = arith.constant 0 : i32
      %dma_wait3A_462 = arith.constant 0 : i32
      %dma_wait3A_463 = tpu.memref_slice %arg5[%dma_wait3A_461, %dma_wait3A_462, %multiple_of3A_155] : memref<2x8x4096xf32, #tpu.memory_space<vmem>> -> memref<2x8x128xf32, #tpu.memory_space<vmem>>
      %dma_wait3A_464 = arith.constant 0 : i32
      %dma_wait3A_465 = arith.constant 0 : i32
      %dma_wait3A_466 = arith.constant 0 : i32
      %dma_wait3A_467 = tpu.memref_slice %arg3[%add3A_70, %dma_wait3A_464, %dma_wait3A_460, %dma_wait3A_465, %dma_wait3A_466] : memref<2048x2x16x8x128xf32, #tpu.memory_space<hbm>> -> memref<1x2x1x8x128xf32, #tpu.memory_space<hbm>>
      %dma_wait3A_468 = tpu.memref_squeeze %dma_wait3A_467 : memref<1x2x1x8x128xf32, #tpu.memory_space<hbm>> -> memref<2x8x128xf32, #tpu.memory_space<hbm>>
      %dma_wait3A_469 = arith.constant 0 : i32
      %dma_wait3A_470 = arith.constant 0 : i32
      %dma_wait3A_471 = arith.constant 0 : i32
      %dma_wait3A_472 = tpu.memref_slice %arg3[%add3A_70, %dma_wait3A_469, %dma_wait3A_460, %dma_wait3A_470, %dma_wait3A_471] : memref<2048x2x16x8x128xf32, #tpu.memory_space<hbm>> -> memref<1x2x1x8x128xf32, #tpu.memory_space<hbm>>
      %dma_wait3A_473 = tpu.memref_squeeze %dma_wait3A_472 : memref<1x2x1x8x128xf32, #tpu.memory_space<hbm>> -> memref<2x8x128xf32, #tpu.memory_space<hbm>>
      %dma_wait3A_474 = arith.constant 0 : i32
      %dma_wait3A_475 = arith.constant 0 : i32
      %dma_wait3A_476 = tpu.memref_slice %arg5[%dma_wait3A_474, %dma_wait3A_475, %multiple_of3A_155] : memref<2x8x4096xf32, #tpu.memory_space<vmem>> -> memref<2x8x128xf32, #tpu.memory_space<vmem>>
      tpu.wait_dma2 semaphore(%arg6 : memref<!tpu.dma_semaphore, #tpu.memory_space<semaphore_mem>>) src(%dma_wait3A_476 : memref<2x8x128xf32, #tpu.memory_space<vmem>>) dst(%dma_wait3A_473 : memref<2x8x128xf32, #tpu.memory_space<hbm>>)
      %dma_wait3A_477 = arith.constant 5 : i32
      %dma_wait3A_478 = arith.constant 0 : i32
      %dma_wait3A_479 = arith.constant 0 : i32
      %dma_wait3A_480 = tpu.memref_slice %arg5[%dma_wait3A_478, %dma_wait3A_479, %multiple_of3A_175] : memref<2x8x4096xf32, #tpu.memory_space<vmem>> -> memref<2x8x128xf32, #tpu.memory_space<vmem>>
      %dma_wait3A_481 = arith.constant 0 : i32
      %dma_wait3A_482 = arith.constant 0 : i32
      %dma_wait3A_483 = arith.constant 0 : i32
      %dma_wait3A_484 = tpu.memref_slice %arg3[%add3A_70, %dma_wait3A_481, %dma_wait3A_477, %dma_wait3A_482, %dma_wait3A_483] : memref<2048x2x16x8x128xf32, #tpu.memory_space<hbm>> -> memref<1x2x1x8x128xf32, #tpu.memory_space<hbm>>
      %dma_wait3A_485 = tpu.memref_squeeze %dma_wait3A_484 : memref<1x2x1x8x128xf32, #tpu.memory_space<hbm>> -> memref<2x8x128xf32, #tpu.memory_space<hbm>>
      %dma_wait3A_486 = arith.constant 0 : i32
      %dma_wait3A_487 = arith.constant 0 : i32
      %dma_wait3A_488 = arith.constant 0 : i32
      %dma_wait3A_489 = tpu.memref_slice %arg3[%add3A_70, %dma_wait3A_486, %dma_wait3A_477, %dma_wait3A_487, %dma_wait3A_488] : memref<2048x2x16x8x128xf32, #tpu.memory_space<hbm>> -> memref<1x2x1x8x128xf32, #tpu.memory_space<hbm>>
      %dma_wait3A_490 = tpu.memref_squeeze %dma_wait3A_489 : memref<1x2x1x8x128xf32, #tpu.memory_space<hbm>> -> memref<2x8x128xf32, #tpu.memory_space<hbm>>
      %dma_wait3A_491 = arith.constant 0 : i32
      %dma_wait3A_492 = arith.constant 0 : i32
      %dma_wait3A_493 = tpu.memref_slice %arg5[%dma_wait3A_491, %dma_wait3A_492, %multiple_of3A_175] : memref<2x8x4096xf32, #tpu.memory_space<vmem>> -> memref<2x8x128xf32, #tpu.memory_space<vmem>>
      tpu.wait_dma2 semaphore(%arg6 : memref<!tpu.dma_semaphore, #tpu.memory_space<semaphore_mem>>) src(%dma_wait3A_493 : memref<2x8x128xf32, #tpu.memory_space<vmem>>) dst(%dma_wait3A_490 : memref<2x8x128xf32, #tpu.memory_space<hbm>>)
      %dma_wait3A_494 = arith.constant 6 : i32
      %dma_wait3A_495 = arith.constant 0 : i32
      %dma_wait3A_496 = arith.constant 0 : i32
      %dma_wait3A_497 = tpu.memref_slice %arg5[%dma_wait3A_495, %dma_wait3A_496, %multiple_of3A_195] : memref<2x8x4096xf32, #tpu.memory_space<vmem>> -> memref<2x8x128xf32, #tpu.memory_space<vmem>>
      %dma_wait3A_498 = arith.constant 0 : i32
      %dma_wait3A_499 = arith.constant 0 : i32
      %dma_wait3A_500 = arith.constant 0 : i32
      %dma_wait3A_501 = tpu.memref_slice %arg3[%add3A_70, %dma_wait3A_498, %dma_wait3A_494, %dma_wait3A_499, %dma_wait3A_500] : memref<2048x2x16x8x128xf32, #tpu.memory_space<hbm>> -> memref<1x2x1x8x128xf32, #tpu.memory_space<hbm>>
      %dma_wait3A_502 = tpu.memref_squeeze %dma_wait3A_501 : memref<1x2x1x8x128xf32, #tpu.memory_space<hbm>> -> memref<2x8x128xf32, #tpu.memory_space<hbm>>
      %dma_wait3A_503 = arith.constant 0 : i32
      %dma_wait3A_504 = arith.constant 0 : i32
      %dma_wait3A_505 = arith.constant 0 : i32
      %dma_wait3A_506 = tpu.memref_slice %arg3[%add3A_70, %dma_wait3A_503, %dma_wait3A_494, %dma_wait3A_504, %dma_wait3A_505] : memref<2048x2x16x8x128xf32, #tpu.memory_space<hbm>> -> memref<1x2x1x8x128xf32, #tpu.memory_space<hbm>>
      %dma_wait3A_507 = tpu.memref_squeeze %dma_wait3A_506 : memref<1x2x1x8x128xf32, #tpu.memory_space<hbm>> -> memref<2x8x128xf32, #tpu.memory_space<hbm>>
      %dma_wait3A_508 = arith.constant 0 : i32
      %dma_wait3A_509 = arith.constant 0 : i32
      %dma_wait3A_510 = tpu.memref_slice %arg5[%dma_wait3A_508, %dma_wait3A_509, %multiple_of3A_195] : memref<2x8x4096xf32, #tpu.memory_space<vmem>> -> memref<2x8x128xf32, #tpu.memory_space<vmem>>
      tpu.wait_dma2 semaphore(%arg6 : memref<!tpu.dma_semaphore, #tpu.memory_space<semaphore_mem>>) src(%dma_wait3A_510 : memref<2x8x128xf32, #tpu.memory_space<vmem>>) dst(%dma_wait3A_507 : memref<2x8x128xf32, #tpu.memory_space<hbm>>)
      %dma_wait3A_511 = arith.constant 7 : i32
      %dma_wait3A_512 = arith.constant 0 : i32
      %dma_wait3A_513 = arith.constant 0 : i32
      %dma_wait3A_514 = tpu.memref_slice %arg5[%dma_wait3A_512, %dma_wait3A_513, %multiple_of3A_215] : memref<2x8x4096xf32, #tpu.memory_space<vmem>> -> memref<2x8x128xf32, #tpu.memory_space<vmem>>
      %dma_wait3A_515 = arith.constant 0 : i32
      %dma_wait3A_516 = arith.constant 0 : i32
      %dma_wait3A_517 = arith.constant 0 : i32
      %dma_wait3A_518 = tpu.memref_slice %arg3[%add3A_70, %dma_wait3A_515, %dma_wait3A_511, %dma_wait3A_516, %dma_wait3A_517] : memref<2048x2x16x8x128xf32, #tpu.memory_space<hbm>> -> memref<1x2x1x8x128xf32, #tpu.memory_space<hbm>>
      %dma_wait3A_519 = tpu.memref_squeeze %dma_wait3A_518 : memref<1x2x1x8x128xf32, #tpu.memory_space<hbm>> -> memref<2x8x128xf32, #tpu.memory_space<hbm>>
      %dma_wait3A_520 = arith.constant 0 : i32
      %dma_wait3A_521 = arith.constant 0 : i32
      %dma_wait3A_522 = arith.constant 0 : i32
      %dma_wait3A_523 = tpu.memref_slice %arg3[%add3A_70, %dma_wait3A_520, %dma_wait3A_511, %dma_wait3A_521, %dma_wait3A_522] : memref<2048x2x16x8x128xf32, #tpu.memory_space<hbm>> -> memref<1x2x1x8x128xf32, #tpu.memory_space<hbm>>
      %dma_wait3A_524 = tpu.memref_squeeze %dma_wait3A_523 : memref<1x2x1x8x128xf32, #tpu.memory_space<hbm>> -> memref<2x8x128xf32, #tpu.memory_space<hbm>>
      %dma_wait3A_525 = arith.constant 0 : i32
      %dma_wait3A_526 = arith.constant 0 : i32
      %dma_wait3A_527 = tpu.memref_slice %arg5[%dma_wait3A_525, %dma_wait3A_526, %multiple_of3A_215] : memref<2x8x4096xf32, #tpu.memory_space<vmem>> -> memref<2x8x128xf32, #tpu.memory_space<vmem>>
      tpu.wait_dma2 semaphore(%arg6 : memref<!tpu.dma_semaphore, #tpu.memory_space<semaphore_mem>>) src(%dma_wait3A_527 : memref<2x8x128xf32, #tpu.memory_space<vmem>>) dst(%dma_wait3A_524 : memref<2x8x128xf32, #tpu.memory_space<hbm>>)
      %dma_wait3A_528 = arith.constant 8 : i32
      %dma_wait3A_529 = arith.constant 0 : i32
      %dma_wait3A_530 = arith.constant 0 : i32
      %dma_wait3A_531 = tpu.memref_slice %arg5[%dma_wait3A_529, %dma_wait3A_530, %multiple_of3A_235] : memref<2x8x4096xf32, #tpu.memory_space<vmem>> -> memref<2x8x128xf32, #tpu.memory_space<vmem>>
      %dma_wait3A_532 = arith.constant 0 : i32
      %dma_wait3A_533 = arith.constant 0 : i32
      %dma_wait3A_534 = arith.constant 0 : i32
      %dma_wait3A_535 = tpu.memref_slice %arg3[%add3A_70, %dma_wait3A_532, %dma_wait3A_528, %dma_wait3A_533, %dma_wait3A_534] : memref<2048x2x16x8x128xf32, #tpu.memory_space<hbm>> -> memref<1x2x1x8x128xf32, #tpu.memory_space<hbm>>
      %dma_wait3A_536 = tpu.memref_squeeze %dma_wait3A_535 : memref<1x2x1x8x128xf32, #tpu.memory_space<hbm>> -> memref<2x8x128xf32, #tpu.memory_space<hbm>>
      %dma_wait3A_537 = arith.constant 0 : i32
      %dma_wait3A_538 = arith.constant 0 : i32
      %dma_wait3A_539 = arith.constant 0 : i32
      %dma_wait3A_540 = tpu.memref_slice %arg3[%add3A_70, %dma_wait3A_537, %dma_wait3A_528, %dma_wait3A_538, %dma_wait3A_539] : memref<2048x2x16x8x128xf32, #tpu.memory_space<hbm>> -> memref<1x2x1x8x128xf32, #tpu.memory_space<hbm>>
      %dma_wait3A_541 = tpu.memref_squeeze %dma_wait3A_540 : memref<1x2x1x8x128xf32, #tpu.memory_space<hbm>> -> memref<2x8x128xf32, #tpu.memory_space<hbm>>
      %dma_wait3A_542 = arith.constant 0 : i32
      %dma_wait3A_543 = arith.constant 0 : i32
      %dma_wait3A_544 = tpu.memref_slice %arg5[%dma_wait3A_542, %dma_wait3A_543, %multiple_of3A_235] : memref<2x8x4096xf32, #tpu.memory_space<vmem>> -> memref<2x8x128xf32, #tpu.memory_space<vmem>>
      tpu.wait_dma2 semaphore(%arg6 : memref<!tpu.dma_semaphore, #tpu.memory_space<semaphore_mem>>) src(%dma_wait3A_544 : memref<2x8x128xf32, #tpu.memory_space<vmem>>) dst(%dma_wait3A_541 : memref<2x8x128xf32, #tpu.memory_space<hbm>>)
      %dma_wait3A_545 = arith.constant 9 : i32
      %dma_wait3A_546 = arith.constant 0 : i32
      %dma_wait3A_547 = arith.constant 0 : i32
      %dma_wait3A_548 = tpu.memref_slice %arg5[%dma_wait3A_546, %dma_wait3A_547, %multiple_of3A_255] : memref<2x8x4096xf32, #tpu.memory_space<vmem>> -> memref<2x8x128xf32, #tpu.memory_space<vmem>>
      %dma_wait3A_549 = arith.constant 0 : i32
      %dma_wait3A_550 = arith.constant 0 : i32
      %dma_wait3A_551 = arith.constant 0 : i32
      %dma_wait3A_552 = tpu.memref_slice %arg3[%add3A_70, %dma_wait3A_549, %dma_wait3A_545, %dma_wait3A_550, %dma_wait3A_551] : memref<2048x2x16x8x128xf32, #tpu.memory_space<hbm>> -> memref<1x2x1x8x128xf32, #tpu.memory_space<hbm>>
      %dma_wait3A_553 = tpu.memref_squeeze %dma_wait3A_552 : memref<1x2x1x8x128xf32, #tpu.memory_space<hbm>> -> memref<2x8x128xf32, #tpu.memory_space<hbm>>
      %dma_wait3A_554 = arith.constant 0 : i32
      %dma_wait3A_555 = arith.constant 0 : i32
      %dma_wait3A_556 = arith.constant 0 : i32
      %dma_wait3A_557 = tpu.memref_slice %arg3[%add3A_70, %dma_wait3A_554, %dma_wait3A_545, %dma_wait3A_555, %dma_wait3A_556] : memref<2048x2x16x8x128xf32, #tpu.memory_space<hbm>> -> memref<1x2x1x8x128xf32, #tpu.memory_space<hbm>>
      %dma_wait3A_558 = tpu.memref_squeeze %dma_wait3A_557 : memref<1x2x1x8x128xf32, #tpu.memory_space<hbm>> -> memref<2x8x128xf32, #tpu.memory_space<hbm>>
      %dma_wait3A_559 = arith.constant 0 : i32
      %dma_wait3A_560 = arith.constant 0 : i32
      %dma_wait3A_561 = tpu.memref_slice %arg5[%dma_wait3A_559, %dma_wait3A_560, %multiple_of3A_255] : memref<2x8x4096xf32, #tpu.memory_space<vmem>> -> memref<2x8x128xf32, #tpu.memory_space<vmem>>
      tpu.wait_dma2 semaphore(%arg6 : memref<!tpu.dma_semaphore, #tpu.memory_space<semaphore_mem>>) src(%dma_wait3A_561 : memref<2x8x128xf32, #tpu.memory_space<vmem>>) dst(%dma_wait3A_558 : memref<2x8x128xf32, #tpu.memory_space<hbm>>)
      %dma_wait3A_562 = arith.constant 10 : i32
      %dma_wait3A_563 = arith.constant 0 : i32
      %dma_wait3A_564 = arith.constant 0 : i32
      %dma_wait3A_565 = tpu.memref_slice %arg5[%dma_wait3A_563, %dma_wait3A_564, %multiple_of3A_275] : memref<2x8x4096xf32, #tpu.memory_space<vmem>> -> memref<2x8x128xf32, #tpu.memory_space<vmem>>
      %dma_wait3A_566 = arith.constant 0 : i32
      %dma_wait3A_567 = arith.constant 0 : i32
      %dma_wait3A_568 = arith.constant 0 : i32
      %dma_wait3A_569 = tpu.memref_slice %arg3[%add3A_70, %dma_wait3A_566, %dma_wait3A_562, %dma_wait3A_567, %dma_wait3A_568] : memref<2048x2x16x8x128xf32, #tpu.memory_space<hbm>> -> memref<1x2x1x8x128xf32, #tpu.memory_space<hbm>>
      %dma_wait3A_570 = tpu.memref_squeeze %dma_wait3A_569 : memref<1x2x1x8x128xf32, #tpu.memory_space<hbm>> -> memref<2x8x128xf32, #tpu.memory_space<hbm>>
      %dma_wait3A_571 = arith.constant 0 : i32
      %dma_wait3A_572 = arith.constant 0 : i32
      %dma_wait3A_573 = arith.constant 0 : i32
      %dma_wait3A_574 = tpu.memref_slice %arg3[%add3A_70, %dma_wait3A_571, %dma_wait3A_562, %dma_wait3A_572, %dma_wait3A_573] : memref<2048x2x16x8x128xf32, #tpu.memory_space<hbm>> -> memref<1x2x1x8x128xf32, #tpu.memory_space<hbm>>
      %dma_wait3A_575 = tpu.memref_squeeze %dma_wait3A_574 : memref<1x2x1x8x128xf32, #tpu.memory_space<hbm>> -> memref<2x8x128xf32, #tpu.memory_space<hbm>>
      %dma_wait3A_576 = arith.constant 0 : i32
      %dma_wait3A_577 = arith.constant 0 : i32
      %dma_wait3A_578 = tpu.memref_slice %arg5[%dma_wait3A_576, %dma_wait3A_577, %multiple_of3A_275] : memref<2x8x4096xf32, #tpu.memory_space<vmem>> -> memref<2x8x128xf32, #tpu.memory_space<vmem>>
      tpu.wait_dma2 semaphore(%arg6 : memref<!tpu.dma_semaphore, #tpu.memory_space<semaphore_mem>>) src(%dma_wait3A_578 : memref<2x8x128xf32, #tpu.memory_space<vmem>>) dst(%dma_wait3A_575 : memref<2x8x128xf32, #tpu.memory_space<hbm>>)
      %dma_wait3A_579 = arith.constant 11 : i32
      %dma_wait3A_580 = arith.constant 0 : i32
      %dma_wait3A_581 = arith.constant 0 : i32
      %dma_wait3A_582 = tpu.memref_slice %arg5[%dma_wait3A_580, %dma_wait3A_581, %multiple_of3A_295] : memref<2x8x4096xf32, #tpu.memory_space<vmem>> -> memref<2x8x128xf32, #tpu.memory_space<vmem>>
      %dma_wait3A_583 = arith.constant 0 : i32
      %dma_wait3A_584 = arith.constant 0 : i32
      %dma_wait3A_585 = arith.constant 0 : i32
      %dma_wait3A_586 = tpu.memref_slice %arg3[%add3A_70, %dma_wait3A_583, %dma_wait3A_579, %dma_wait3A_584, %dma_wait3A_585] : memref<2048x2x16x8x128xf32, #tpu.memory_space<hbm>> -> memref<1x2x1x8x128xf32, #tpu.memory_space<hbm>>
      %dma_wait3A_587 = tpu.memref_squeeze %dma_wait3A_586 : memref<1x2x1x8x128xf32, #tpu.memory_space<hbm>> -> memref<2x8x128xf32, #tpu.memory_space<hbm>>
      %dma_wait3A_588 = arith.constant 0 : i32
      %dma_wait3A_589 = arith.constant 0 : i32
      %dma_wait3A_590 = arith.constant 0 : i32
      %dma_wait3A_591 = tpu.memref_slice %arg3[%add3A_70, %dma_wait3A_588, %dma_wait3A_579, %dma_wait3A_589, %dma_wait3A_590] : memref<2048x2x16x8x128xf32, #tpu.memory_space<hbm>> -> memref<1x2x1x8x128xf32, #tpu.memory_space<hbm>>
      %dma_wait3A_592 = tpu.memref_squeeze %dma_wait3A_591 : memref<1x2x1x8x128xf32, #tpu.memory_space<hbm>> -> memref<2x8x128xf32, #tpu.memory_space<hbm>>
      %dma_wait3A_593 = arith.constant 0 : i32
      %dma_wait3A_594 = arith.constant 0 : i32
      %dma_wait3A_595 = tpu.memref_slice %arg5[%dma_wait3A_593, %dma_wait3A_594, %multiple_of3A_295] : memref<2x8x4096xf32, #tpu.memory_space<vmem>> -> memref<2x8x128xf32, #tpu.memory_space<vmem>>
      tpu.wait_dma2 semaphore(%arg6 : memref<!tpu.dma_semaphore, #tpu.memory_space<semaphore_mem>>) src(%dma_wait3A_595 : memref<2x8x128xf32, #tpu.memory_space<vmem>>) dst(%dma_wait3A_592 : memref<2x8x128xf32, #tpu.memory_space<hbm>>)
      %dma_wait3A_596 = arith.constant 12 : i32
      %dma_wait3A_597 = arith.constant 0 : i32
      %dma_wait3A_598 = arith.constant 0 : i32
      %dma_wait3A_599 = tpu.memref_slice %arg5[%dma_wait3A_597, %dma_wait3A_598, %multiple_of3A_315] : memref<2x8x4096xf32, #tpu.memory_space<vmem>> -> memref<2x8x128xf32, #tpu.memory_space<vmem>>
      %dma_wait3A_600 = arith.constant 0 : i32
      %dma_wait3A_601 = arith.constant 0 : i32
      %dma_wait3A_602 = arith.constant 0 : i32
      %dma_wait3A_603 = tpu.memref_slice %arg3[%add3A_70, %dma_wait3A_600, %dma_wait3A_596, %dma_wait3A_601, %dma_wait3A_602] : memref<2048x2x16x8x128xf32, #tpu.memory_space<hbm>> -> memref<1x2x1x8x128xf32, #tpu.memory_space<hbm>>
      %dma_wait3A_604 = tpu.memref_squeeze %dma_wait3A_603 : memref<1x2x1x8x128xf32, #tpu.memory_space<hbm>> -> memref<2x8x128xf32, #tpu.memory_space<hbm>>
      %dma_wait3A_605 = arith.constant 0 : i32
      %dma_wait3A_606 = arith.constant 0 : i32
      %dma_wait3A_607 = arith.constant 0 : i32
      %dma_wait3A_608 = tpu.memref_slice %arg3[%add3A_70, %dma_wait3A_605, %dma_wait3A_596, %dma_wait3A_606, %dma_wait3A_607] : memref<2048x2x16x8x128xf32, #tpu.memory_space<hbm>> -> memref<1x2x1x8x128xf32, #tpu.memory_space<hbm>>
      %dma_wait3A_609 = tpu.memref_squeeze %dma_wait3A_608 : memref<1x2x1x8x128xf32, #tpu.memory_space<hbm>> -> memref<2x8x128xf32, #tpu.memory_space<hbm>>
      %dma_wait3A_610 = arith.constant 0 : i32
      %dma_wait3A_611 = arith.constant 0 : i32
      %dma_wait3A_612 = tpu.memref_slice %arg5[%dma_wait3A_610, %dma_wait3A_611, %multiple_of3A_315] : memref<2x8x4096xf32, #tpu.memory_space<vmem>> -> memref<2x8x128xf32, #tpu.memory_space<vmem>>
      tpu.wait_dma2 semaphore(%arg6 : memref<!tpu.dma_semaphore, #tpu.memory_space<semaphore_mem>>) src(%dma_wait3A_612 : memref<2x8x128xf32, #tpu.memory_space<vmem>>) dst(%dma_wait3A_609 : memref<2x8x128xf32, #tpu.memory_space<hbm>>)
      %dma_wait3A_613 = arith.constant 13 : i32
      %dma_wait3A_614 = arith.constant 0 : i32
      %dma_wait3A_615 = arith.constant 0 : i32
      %dma_wait3A_616 = tpu.memref_slice %arg5[%dma_wait3A_614, %dma_wait3A_615, %multiple_of3A_335] : memref<2x8x4096xf32, #tpu.memory_space<vmem>> -> memref<2x8x128xf32, #tpu.memory_space<vmem>>
      %dma_wait3A_617 = arith.constant 0 : i32
      %dma_wait3A_618 = arith.constant 0 : i32
      %dma_wait3A_619 = arith.constant 0 : i32
      %dma_wait3A_620 = tpu.memref_slice %arg3[%add3A_70, %dma_wait3A_617, %dma_wait3A_613, %dma_wait3A_618, %dma_wait3A_619] : memref<2048x2x16x8x128xf32, #tpu.memory_space<hbm>> -> memref<1x2x1x8x128xf32, #tpu.memory_space<hbm>>
      %dma_wait3A_621 = tpu.memref_squeeze %dma_wait3A_620 : memref<1x2x1x8x128xf32, #tpu.memory_space<hbm>> -> memref<2x8x128xf32, #tpu.memory_space<hbm>>
      %dma_wait3A_622 = arith.constant 0 : i32
      %dma_wait3A_623 = arith.constant 0 : i32
      %dma_wait3A_624 = arith.constant 0 : i32
      %dma_wait3A_625 = tpu.memref_slice %arg3[%add3A_70, %dma_wait3A_622, %dma_wait3A_613, %dma_wait3A_623, %dma_wait3A_624] : memref<2048x2x16x8x128xf32, #tpu.memory_space<hbm>> -> memref<1x2x1x8x128xf32, #tpu.memory_space<hbm>>
      %dma_wait3A_626 = tpu.memref_squeeze %dma_wait3A_625 : memref<1x2x1x8x128xf32, #tpu.memory_space<hbm>> -> memref<2x8x128xf32, #tpu.memory_space<hbm>>
      %dma_wait3A_627 = arith.constant 0 : i32
      %dma_wait3A_628 = arith.constant 0 : i32
      %dma_wait3A_629 = tpu.memref_slice %arg5[%dma_wait3A_627, %dma_wait3A_628, %multiple_of3A_335] : memref<2x8x4096xf32, #tpu.memory_space<vmem>> -> memref<2x8x128xf32, #tpu.memory_space<vmem>>
      tpu.wait_dma2 semaphore(%arg6 : memref<!tpu.dma_semaphore, #tpu.memory_space<semaphore_mem>>) src(%dma_wait3A_629 : memref<2x8x128xf32, #tpu.memory_space<vmem>>) dst(%dma_wait3A_626 : memref<2x8x128xf32, #tpu.memory_space<hbm>>)
      %dma_wait3A_630 = arith.constant 14 : i32
      %dma_wait3A_631 = arith.constant 0 : i32
      %dma_wait3A_632 = arith.constant 0 : i32
      %dma_wait3A_633 = tpu.memref_slice %arg5[%dma_wait3A_631, %dma_wait3A_632, %multiple_of3A_355] : memref<2x8x4096xf32, #tpu.memory_space<vmem>> -> memref<2x8x128xf32, #tpu.memory_space<vmem>>
      %dma_wait3A_634 = arith.constant 0 : i32
      %dma_wait3A_635 = arith.constant 0 : i32
      %dma_wait3A_636 = arith.constant 0 : i32
      %dma_wait3A_637 = tpu.memref_slice %arg3[%add3A_70, %dma_wait3A_634, %dma_wait3A_630, %dma_wait3A_635, %dma_wait3A_636] : memref<2048x2x16x8x128xf32, #tpu.memory_space<hbm>> -> memref<1x2x1x8x128xf32, #tpu.memory_space<hbm>>
      %dma_wait3A_638 = tpu.memref_squeeze %dma_wait3A_637 : memref<1x2x1x8x128xf32, #tpu.memory_space<hbm>> -> memref<2x8x128xf32, #tpu.memory_space<hbm>>
      %dma_wait3A_639 = arith.constant 0 : i32
      %dma_wait3A_640 = arith.constant 0 : i32
      %dma_wait3A_641 = arith.constant 0 : i32
      %dma_wait3A_642 = tpu.memref_slice %arg3[%add3A_70, %dma_wait3A_639, %dma_wait3A_630, %dma_wait3A_640, %dma_wait3A_641] : memref<2048x2x16x8x128xf32, #tpu.memory_space<hbm>> -> memref<1x2x1x8x128xf32, #tpu.memory_space<hbm>>
      %dma_wait3A_643 = tpu.memref_squeeze %dma_wait3A_642 : memref<1x2x1x8x128xf32, #tpu.memory_space<hbm>> -> memref<2x8x128xf32, #tpu.memory_space<hbm>>
      %dma_wait3A_644 = arith.constant 0 : i32
      %dma_wait3A_645 = arith.constant 0 : i32
      %dma_wait3A_646 = tpu.memref_slice %arg5[%dma_wait3A_644, %dma_wait3A_645, %multiple_of3A_355] : memref<2x8x4096xf32, #tpu.memory_space<vmem>> -> memref<2x8x128xf32, #tpu.memory_space<vmem>>
      tpu.wait_dma2 semaphore(%arg6 : memref<!tpu.dma_semaphore, #tpu.memory_space<semaphore_mem>>) src(%dma_wait3A_646 : memref<2x8x128xf32, #tpu.memory_space<vmem>>) dst(%dma_wait3A_643 : memref<2x8x128xf32, #tpu.memory_space<hbm>>)
      %dma_wait3A_647 = arith.constant 15 : i32
      %dma_wait3A_648 = arith.constant 0 : i32
      %dma_wait3A_649 = arith.constant 0 : i32
      %dma_wait3A_650 = tpu.memref_slice %arg5[%dma_wait3A_648, %dma_wait3A_649, %multiple_of3A_375] : memref<2x8x4096xf32, #tpu.memory_space<vmem>> -> memref<2x8x128xf32, #tpu.memory_space<vmem>>
      %dma_wait3A_651 = arith.constant 0 : i32
      %dma_wait3A_652 = arith.constant 0 : i32
      %dma_wait3A_653 = arith.constant 0 : i32
      %dma_wait3A_654 = tpu.memref_slice %arg3[%add3A_70, %dma_wait3A_651, %dma_wait3A_647, %dma_wait3A_652, %dma_wait3A_653] : memref<2048x2x16x8x128xf32, #tpu.memory_space<hbm>> -> memref<1x2x1x8x128xf32, #tpu.memory_space<hbm>>
      %dma_wait3A_655 = tpu.memref_squeeze %dma_wait3A_654 : memref<1x2x1x8x128xf32, #tpu.memory_space<hbm>> -> memref<2x8x128xf32, #tpu.memory_space<hbm>>
      %dma_wait3A_656 = arith.constant 0 : i32
      %dma_wait3A_657 = arith.constant 0 : i32
      %dma_wait3A_658 = arith.constant 0 : i32
      %dma_wait3A_659 = tpu.memref_slice %arg3[%add3A_70, %dma_wait3A_656, %dma_wait3A_647, %dma_wait3A_657, %dma_wait3A_658] : memref<2048x2x16x8x128xf32, #tpu.memory_space<hbm>> -> memref<1x2x1x8x128xf32, #tpu.memory_space<hbm>>
      %dma_wait3A_660 = tpu.memref_squeeze %dma_wait3A_659 : memref<1x2x1x8x128xf32, #tpu.memory_space<hbm>> -> memref<2x8x128xf32, #tpu.memory_space<hbm>>
      %dma_wait3A_661 = arith.constant 0 : i32
      %dma_wait3A_662 = arith.constant 0 : i32
      %dma_wait3A_663 = tpu.memref_slice %arg5[%dma_wait3A_661, %dma_wait3A_662, %multiple_of3A_375] : memref<2x8x4096xf32, #tpu.memory_space<vmem>> -> memref<2x8x128xf32, #tpu.memory_space<vmem>>
      tpu.wait_dma2 semaphore(%arg6 : memref<!tpu.dma_semaphore, #tpu.memory_space<semaphore_mem>>) src(%dma_wait3A_663 : memref<2x8x128xf32, #tpu.memory_space<vmem>>) dst(%dma_wait3A_660 : memref<2x8x128xf32, #tpu.memory_space<hbm>>)
    }
    %scan3A_63 = arith.constant 64 : i32
    return
  }
}

</mosaic_0001>

<sc_bundles>
// kernel: kernel.3.cloned.1.call-start
scs
__scs_entry_jumppad:
0x0: {  	(pc) =	sbr.rel $0x88, $3  }
0x1: {  	(tag) =	ssettag $0x0;
	lr =	simm.s32 $0x1  }
0x2: {  	[smem:$0x3FA0] =	sst lr;
	_ =	strace $0xD0000000  }
0x3: {  	_ = 	snop  }
0x4: {  	_ = 	snop  }
0x5: {  	_ = 	snop  }
0x6: {  	_ = 	snop  }
0x7: {  	_ = 	snop  }
__scs_overlays_trampoline_lowered:
0x8: {  	[smem:$0x3FAF] =	sst s0  }
0x9: {  	[smem:$0x3FB0] =	sst s1  }
0xa: {  	[smem:$0x3FB1] =	sst s2  }
0xb: {  	[smem:$0x3FB2] =	sst s3  }
0xc: {  	[smem:$0x3FB3] =	sst s4  }
0xd: {  	[smem:$0x3FB4] =	sst s5  }
0xe: {  	[smem:$0x3FB5] =	sst s6  }
0xf: {  	[smem:$0x3FB6] =	sst s7  }
0x10: {  	[smem:$0x3FB7] =	sst s8  }
0x11: {  	[smem:$0x3FB8] =	sst s9;
	s0 =	simm.s32 @!p0 $0x0  }
0x12: {  	s1 =	sld [smem:$0x3F9E];
	s0 =	simm.s32 @p0 $0x1  }
0x13: {  	[smem:$0x3FB9] =	sst s0;
	s0 =	simm.s32 @!p1 $0x0  }
0x14: {  	s2 =	sld [smem:$0x3F9D];
	s0 =	simm.s32 @p1 $0x1  }
0x15: {  	[smem:$0x3FBA] =	sst s0;
	s0 =	simm.s32 @!p2 $0x0  }
0x16: {  	s3 =	sld [smem:$0x3FDB];
	s0 =	simm.s32 @p2 $0x1  }
0x17: {  	s4 =	simm.s32 $0x1BF5;
	[smem:$0x3FBC] =	sst s0  }
0x18: {  	s0 =	sld [smem:$0x3F9F];
	_ =	swait.ge [sflag:s4], $0x0  }
0x19: {  	s7 =	sld [smem:$0x3FA0]  }
0x1a: {  	s8 =	sadd.s32 $0xFFFFE003, lr  }
0x1b: {  	s9 =	sadd.s32 $0xFFFFFEF7, lr;
	s5 =	simm.s32 $0xFFFFFFFF;
	p2 =	slt.u32 s8, $0xFFFFF086  }
0x1c: {  	p1 =	slt.u32 s9, $0xF7A;
	s5 =	simm.s32 @!p2 $0x0  }
0x1d: {  	s5 =	simm.s32 @p1 $0x1;
	p0 =	seq.s32 s7, s2  }
0x1e: {  	s7 =	smul.u32 @!p0 $0xF7A, s2;
	p2 =	seq.s32 @!p0 s5, $0x0  }
0x1f: {  	s9 =	smul.u32 $0xF7A, s1;
	s8 =	simm.s32 @!p0 $0x1BF5;
	p2 =	por !p2, p0  }
0x20: {  	[sflag:s8] =	ssyncset.s32 @!p0 $0xFFFFF086;
	s6 =	sadd.s32 @!p0 s3, s7;
	s7 =	simm.s32 @!p0 $0x108  }
0x21: {  	s3 =	sadd.s32 s3, s9;
	s6 =	sadd.s32 @!p0 $0x88, s6;
	s7 =	simm.s32 @p2 $0x1082  }
0x22: {  	[simem:s7], [sflag:s8] =	dma.local @!p0 [hbm:s6], $0xF7A  }
0x23: {  	s9 =	sor.u32 $0xD0000000, s2;
	s6 =	simm.s32 $0x108;
	_ =	swait.ge @!p0 [sflag:s8], $0x0  }
0x24: {  	s3 =	sadd.s32 $0x88, s3;
	s6 =	simm.s32 @!p1 $0x1082;
	[sflag:s4] =	ssyncset.s32 $0xFFFFF086  }
0x25: {  	[simem:s6], [sflag:s4] =	dma.local [hbm:s3], $0xF7A  }
0x26: {  	[smem:$0x3FA0] =	sst s1;
	(tag) =	ssettag s2;
	_ =	strace s9  }
0x27: {  	s1 =	sld [smem:$0x3FB0]  }
0x28: {  	s2 =	sld [smem:$0x3FB1]  }
0x29: {  	s4 =	sld [smem:$0x3FB3]  }
0x2a: {  	p0 =	seq.s32 s5, $0x0;
	s5 =	sld [smem:$0x3FB4]  }
0x2b: {  	s6 =	sld [smem:$0x3FB5]  }
0x2c: {  	s7 =	sld [smem:$0x3FB6]  }
0x2d: {  	s3 =	simm.s32 $0x108;
	s8 =	sld [smem:$0x3FB7]  }
0x2e: {  	s3 =	simm.s32 @!p0 $0x1082;
	s9 =	sld [smem:$0x3FB8]  }
0x2f: {  	lr =	sadd.s32 s0, s3;
	s0 =	sld [smem:$0x3FAF]  }
0x30: {  	s3 =	sld [smem:$0x3FB2]  }
0x31: {  	[smem:$0x3FBB] =	sst s10  }
0x32: {  	s10 =	sld [smem:$0x3FB9];
	_ =	sdelay $0x3  }
0x33: {  	p0 =	seq.s32 s10, $0x1;
	s10 =	sld [smem:$0x3FBB];
	_ =	sdelay $0x3  }
0x34: {  	[smem:$0x3FBB] =	sst s10  }
0x35: {  	s10 =	sld [smem:$0x3FBA];
	_ =	sdelay $0x3  }
0x36: {  	p1 =	seq.s32 s10, $0x1;
	s10 =	sld [smem:$0x3FBB];
	_ =	sdelay $0x3  }
0x37: {  	[smem:$0x3FBB] =	sst s10  }
0x38: {  	s10 =	sld [smem:$0x3FBC]  }
0x39: {  	_ = 	snop;
	(pc) =	sbr.ind lr, $3  }
0x3a: {  	_ = 	snop  }
0x3b: {  	_ = 	snop  }
0x3c: {  	p2 =	seq.s32 s10, $0x1;
	s10 =	sld [smem:$0x3FBB]  }
0x3d: {  	_ =	shalt  }
0x3e: {  	_ =	shalt  }
0x3f: {  	_ =	shalt  }
0x40: {  	_ =	shalt  }
0x41: {  	_ =	shalt  }
0x42: {  	_ =	shalt  }
0x43: {  	_ =	shalt  }
0x44: {  	_ =	shalt  }
0x45: {  	_ =	shalt  }
0x46: {  	_ =	shalt  }
0x47: {  	_ =	shalt  }
0x48: {  	_ =	shalt  }
0x49: {  	_ =	shalt  }
0x4a: {  	_ =	shalt  }
0x4b: {  	_ =	shalt  }
0x4c: {  	_ =	shalt  }
0x4d: {  	_ =	shalt  }
0x4e: {  	_ =	shalt  }
0x4f: {  	_ =	shalt  }
0x50: {  	_ =	shalt  }
0x51: {  	_ =	shalt  }
0x52: {  	_ =	shalt  }
0x53: {  	_ =	shalt  }
0x54: {  	_ =	shalt  }
0x55: {  	_ =	shalt  }
0x56: {  	_ =	shalt  }
0x57: {  	_ =	shalt  }
0x58: {  	_ =	shalt  }
0x59: {  	_ =	shalt  }
0x5a: {  	_ =	shalt  }
0x5b: {  	_ =	shalt  }
0x5c: {  	_ =	shalt  }
0x5d: {  	_ =	shalt  }
0x5e: {  	_ =	shalt  }
0x5f: {  	_ =	shalt  }
0x60: {  	_ =	shalt  }
0x61: {  	_ =	shalt  }
0x62: {  	_ =	shalt  }
0x63: {  	_ =	shalt  }
0x64: {  	_ =	shalt  }
0x65: {  	_ =	shalt  }
0x66: {  	_ =	shalt  }
0x67: {  	_ =	shalt  }
0x68: {  	_ =	shalt  }
0x69: {  	_ =	shalt  }
0x6a: {  	_ =	shalt  }
0x6b: {  	_ =	shalt  }
0x6c: {  	_ =	shalt  }
0x6d: {  	_ =	shalt  }
0x6e: {  	_ =	shalt  }
0x6f: {  	_ =	shalt  }
0x70: {  	_ =	shalt  }
0x71: {  	_ =	shalt  }
0x72: {  	_ =	shalt  }
0x73: {  	_ =	shalt  }
0x74: {  	_ =	shalt  }
0x75: {  	_ =	shalt  }
0x76: {  	_ =	shalt  }
0x77: {  	_ =	shalt  }
0x78: {  	_ =	shalt  }
0x79: {  	_ =	shalt  }
0x7a: {  	_ =	shalt  }
0x7b: {  	_ =	shalt  }
0x7c: {  	_ =	shalt  }
0x7d: {  	_ =	shalt  }
0x7e: {  	_ =	shalt  }
0x7f: {  	_ =	shalt  }
0x80: {  	_ =	shalt  }
0x81: {  	_ =	shalt  }
0x82: {  	_ =	shalt  }
0x83: {  	_ =	shalt  }
0x84: {  	_ =	shalt  }
0x85: {  	_ =	shalt  }
0x86: {  	_ =	shalt  }
0x87: {  	_ =	shalt  }
.Lfunc_end0:
.L_simem_size_0:
called_computation_lowered:
.L_overlay_start_0:
0x88: {  	s2 =	sld [smem:$0x3FD9]  }
0x89: {  	s3 =	sld [smem:$0x3FFE];
	_ =	sdelay $0x1  }
0x8a: {  	s1 =	srdreg.scid  }
0x8b: {  	s0 =	sand.u32 $0x1, s1  }
0x8c: {  	s17 =	sshll.u32 s0, $0xA;
	s2 =	sadd.s32 s3, s2  }
0x8d: {  	s2 =	sadd.s32 s2, s17  }
0x8e: {  	[smem:$0x3FC7] =	sst s2  }
0x8f: {  	_ = 	snop  }
0x90: {  	s2 =	sld [smem:$0x3FD0];
	(tm) =	ssettm $0x1  }
0x91: {  	s18 =	sld [smem:$0x3FFB];
	_ =	sdelay $0x3  }
0x92: {  	_ =	strace s18  }
0x93: {  	s3 =	sld [smem:$0x3FFC];
	_ =	sdelay $0x3  }
0x94: {  	_ =	strace s3  }
0x95: {  	s3 =	sld [smem:$0x3FFD];
	_ =	sdelay $0x3  }
0x96: {  	_ =	strace s3  }
0x97: {  	_ =	strace $0x8FFFFFFF  }
0x98: {  	s19 =	sld [smem:$0x3FDB];
	_ =	sdelay $0x1  }
0x99: {  	s4 =	simm.s32 $_scs_section_size  }
0x9a: {  	s5 =	simm.s32 $_size__tile_overlayer_lowered;
	s6 =	simm.s32 $_tile_overlayer_lowered  }
0x9b: {  	s22 =	simm.s32 $0x1BFF;
	s21 =	sshll.u32 s6, $0x1;
	s3 =	sadd.s32 s4, s19  }
0x9c: {  	s7 =	simm.s32 $0x0;
	s20 =	sshll.u32 s5, $0x1;
	s5 =	sadd.s32 s21, s3  }
0x9d: {  	[timem:s7], [sflag:s22] =	dma.local [hbm:s5], s20  }
0x9e: {  	_ =	swait.ge [sflag:s22], s20  }
0x9f: {  	s4 =	ssub.s32 $0x0, s20;
	[sflag:s22] =	ssyncset.done $0x0  }
0xa0: {  	[sflag:s22] =	ssyncadd.s32 s4;
	_ =	sdelay $0x1  }
0xa1: {  	s23 =	simm.s32 $0x1B8B  }
0xa2: {  	_ =	swait.ge [sflag:s23], $0x1  }
0xa3: {  	[sflag:s23] =	ssyncset.done $0x0  }
0xa4: {  	s25 =	simm.s32 $0x1B8E;
	s24 =	sld [smem:$0x3FFE];
	[sflag:s23] =	ssyncadd.s32 $0xFFFFFFFF  }
0xa5: {  	s26 =	simm.s32 $execute0_lowered;
	[smem:$0x3FD2] =	sst s25  }
0xa6: {  	s5 =	sshll.u32 s26, $0x1;
	_ =	strace $0x80000046;
	[dreg:$0x1] =	wrdreg $0xFFFFFFFF  }
0xa7: {  	s28 =	simm.s32 $_size_execute0_lowered;
	s3 =	sadd.s32 s3, s5;
	[dreg:$0x0] =	wrdreg $0x0  }
0xa8: {  	s5 =	sshll.u32 s28, $0x1;
	[dreg:$0x2] =	wrdreg s3  }
0xa9: {  	[dreg:$0x3] =	wrdreg s5  }
0xaa: {  	[dreg:$0x4] =	wrdreg $0xC0  }
0xab: {  	_ =	task [dreg:s7], $0x5FFFF  }
0xac: {  	[dreg:$0x1] =	wrdreg $0xFFFFFFFF  }
0xad: {  	[dreg:$0x0] =	wrdreg $0x60  }
0xae: {  	[dreg:$0x2] =	wrdreg s24  }
0xaf: {  	[dreg:$0x3] =	wrdreg s2  }
0xb0: {  	[dreg:$0x4] =	wrdreg $0x9  }
0xb1: {  	_ =	task.clear_ibuf [dreg:s7], $0x5FFFF;
	_ =	strace $0x90000046  }
0xb2: {  	s29 =	simm.s32 $0x9;
	_ =	strace $0x80000048  }
0xb3: {  	_ =	swait.ge [sflag:s29], $0x1  }
0xb4: {  	[sflag:s29] =	ssyncadd.s32 $0xFFFFFFFF  }
0xb5: {  	_ =	strace $0x90000048  }
0xb6: {  	_ =	sfence  }
0xb7: {  	s30 =	sld [smem:$0x0];
	_ =	sdelay $0x2  }
0xb8: {  	s31 =	sshll.u32 s1, $0xD;
	s1 =	sshrl.u32 s1, $0x2  }
0xb9: {  	s3 =	sand.u32 $0x4000, s31;
	s1 =	sadd.s32 s1, s30  }
0xba: {  	s0 =	sor.u32 s3, s0;
	s1 =	sshll.u32 s1, $0x11  }
0xbb: {  	s0 =	sor.u32 s1, s0  }
0xbc: {  	s0 =	sadd.s32 $0x8F2B, s0  }
0xbd: {  	[sflag:s0] =	ssyncadd.remote.s32 $0x1  }
0xbe: {  	_ =	sfence.sel $0xFFFF  }
0xbf: {  	[dreg:$0x0] =	wrdreg $0xFFFFFFFF;
	(pc) =	sbr.abs _section_cstart, $3  }
0xc0: {  	[dreg:$0x1] =	wrdreg $0xFFFFFFFF  }
0xc1: {  	_ =	task.clear_ibuf [dreg:s7], $0x2FFFF;
	_ =	strace $0x9FFFFFFF  }
0xc2: {  	(tm) =	ssettm $0x7FFFFFFF  }
0xc3: {  	_ =	shalt  }
tec
execute0_lowered:
.L_overlay_start_1:
0x0: {  	(tag) =	ssettag $0x1  }
0x1: {  	s2 =	rddreg [dreg:$0x0]  }
0x2: {  	s5 =	rddreg [dreg:$0x1]  }
0x3: {  	s0 =	rddreg [dreg:$0x2];
	s1 =	simm.s32 $0x0  }
0x4: {  	s4 =	srdreg.scid;
	[smem:$0x7FF] =	sst s1;
	s3 =	sadd.s32 $0x400, s2  }
0x5: {  	s2 =	stileid.u32;
	s6 =	sand.u32 $0x1, s4;
	_ =	strace $0x80000047  }
0x6: {  	s4 =	ssub.s32 $0x2, s6;
	s7 =	sshll.u32 s2, $0x1;
	s8 =	sshll.u32 s2, $0x7  }
0x7: {  	s29 =	sshrl.u32 s2, $0x2;
	s12 =	sand.u32 $0x3, s2;
	s9 =	sshrl.u32 s4, $0x1  }
0x8: {  	s10 =	sand.u32 $0x6, s7;
	s7 =	sor.u32 s7, s8;
	s11 =	sshll.u32 s29, $0x15  }
0x9: {  	s12 =	sshll.u32 s12, $0xD;
	s4 =	ssub.s32 s4, s9;
	s28 =	sor.u32 s6, s10  }
0xa: {  	s7 =	sand.u32 $0x606, s7;
	s11 =	sadd.s32 s11, s5;
	s9 =	sshll.u32 s29, $0x9  }
0xb: {  	s8 =	sxor.u32 $0x7, s28;
	s7 =	sor.u32 s6, s7;
	s4 =	smax.u32 s4, $0x1  }
0xc: {  	s9 =	sxor.u32 $0x630, s9;
	s11 =	sadd.s32 s12, s11;
	s6 =	sshll.u32 s6, $0xC  }
0xd: {  	s30 =	sshll.u32 s7, $0xC;
	s31 =	sadd.s32 s6, s11;
	s6 =	sadd.s32 $0x1010, s9  }
0xe: {  	s9 =	simm.s32 $0x1;
	s10 =	sadd.s32 s30, s5;
	s5 =	sor.u32 $0x1C8, s7  }
0xf: {  	v0 =	vlaneseq.u32;
	s7 =	sadd.s32 s8, s7;
	[dreg:$0x3] =	wrdreg s31;
	s8 =	simm.s32 $0x2  }
0x10: {  	v0 =	vmul.u32 $0xFFFFFFFF, v0;
	[dreg:$0x4] =	wrdreg s10;
	s7 =	sxor.u32 $0xF7F, s7;
	s10 =	simm.s32 $0x0  }
.LBB2_1:
0x11: {  	[tilespmem:s1], [sflag:$0x2] =	stream.linear.gather [hbm4b:s3+s1], $0x1010, $0x38;
	[tilespmem:$0x11010] =	vst v63  }
0x12: {  	_ =	swait.ge [sflag:s8], $0x1010  }
0x13: {  	[sflag:s8] =	ssyncset.done $0x0  }
0x14: {  	s11 =	smov.u32 s6;
	s12 =	simm.s32 $0x0;
	[sflag:s8] =	ssyncadd.s32 $0xFFFFEFF0  }
.LBB2_2:
0x15: {  	s13 =	sadd.s32 $0x30, s5  }
0x16: {  	v1 =	vadd.s32 s13, v0  }
0x17: {  	v2 =	vmov s12;
	vm0 =	vgt.s32 v1, $0xFFFFFF80  }
0x18: {  	v2 =	vand.u32 $0xF, v2;
	v3 =	vnsel vm0, $0xFFFFFF80, v1  }
0x19: {  	v1 =	vor.u32 $0x800, v2;
	vm0 =	vlt.s32 v3, $0x80  }
0x1a: {  	v1 =	vbroadcast v1, $0x0;
	v2 =	vnsel vm0, $0x80, v3  }
0x1b: {  	s30 =	sadd.s32 $0x20, s5;
	v2 =	vshll.u32 v2, $0x4  }
0x1c: {  	v3 =	vadd.s32 s30, v0;
	v2 =	vadd.s32 v1, v2  }
0x1d: {  	vm13 =	vgt.s32 v3, $0xFFFFFF80  }
0x1e: {  	v3 =	vnsel vm13, $0xFFFFFF80, v3  }
0x1f: {  	vm0 =	vlt.s32 v3, $0x80  }
0x20: {  	v3 =	vnsel vm0, $0x80, v3  }
0x21: {  	s31 =	sadd.s32 $0x10, s5;
	v3 =	vshll.u32 v3, $0x4;
	v2 =	vld.idx.msk [tilespmem:v2+s1+$0x0], $0xffff  }
0x22: {  	v4 =	vadd.s32 s31, v0;
	v3 =	vadd.s32 v1, v3  }
0x23: {  	vm14 =	vgt.s32 v4, $0xFFFFFF80  }
0x24: {  	v4 =	vnsel vm14, $0xFFFFFF80, v4  }
0x25: {  	vm0 =	vlt.s32 v4, $0x80  }
0x26: {  	[tilespmem:s11+$0xFFFFFFD0] =	vst v2;
	v2 =	vnsel vm0, $0x80, v4  }
0x27: {  	v3 =	vld.idx.msk [tilespmem:v3+s1+$0x0], $0xffff;
	v2 =	vshll.u32 v2, $0x4  }
0x28: {  	v4 =	vadd.s32 s5, v0;
	v2 =	vadd.s32 v1, v2  }
0x29: {  	vm15 =	vgt.s32 v4, $0xFFFFFF80  }
0x2a: {  	v4 =	vnsel vm15, $0xFFFFFF80, v4  }
0x2b: {  	vm0 =	vlt.s32 v4, $0x80  }
0x2c: {  	[tilespmem:s11+$0xFFFFFFE0] =	vst v3;
	v3 =	vnsel vm0, $0x80, v4  }
0x2d: {  	s14 =	simm.s32 $0x0;
	s15 =	sadd.s32 $0xFFFFFFC0, s5;
	s13 =	smov.u32 s11;
	v2 =	vld.idx.msk [tilespmem:v2+s1+$0x0], $0xffff;
	v3 =	vshll.u32 v3, $0x4  }
.LBB2_3:
0x2e: {  	s16 =	sadd.s32 $0x30, s15;
	s14 =	sadd.s32 $0x4, s14;
	v3 =	vadd.s32 v1, v3  }
0x2f: {  	v4 =	vadd.s32 s16, v0;
	p0 =	slt.u32 s14, $0x9C  }
0x30: {  	vm0 =	vgt.s32 v4, $0xFFFFFF80  }
0x31: {  	v4 =	vnsel vm0, $0xFFFFFF80, v4  }
0x32: {  	vm0 =	vlt.s32 v4, $0x80;
	[tilespmem:s13+$0xFFFFFFF0] =	vst v2  }
0x33: {  	v2 =	vnsel vm0, $0x80, v4;
	v3 =	vld.idx.msk [tilespmem:v3+s1+$0x0], $0xffff  }
0x34: {  	v2 =	vshll.u32 v2, $0x4  }
0x35: {  	s16 =	sadd.s32 $0x20, s15;
	v2 =	vadd.s32 v1, v2  }
0x36: {  	v4 =	vadd.s32 s16, v0  }
0x37: {  	vm0 =	vgt.s32 v4, $0xFFFFFF80  }
0x38: {  	v4 =	vnsel vm0, $0xFFFFFF80, v4  }
0x39: {  	vm0 =	vlt.s32 v4, $0x80;
	[tilespmem:s13+$0x0] =	vst v3  }
0x3a: {  	v3 =	vnsel vm0, $0x80, v4;
	v2 =	vld.idx.msk [tilespmem:v2+s1+$0x0], $0xffff  }
0x3b: {  	v3 =	vshll.u32 v3, $0x4  }
0x3c: {  	s16 =	sadd.s32 $0x10, s15;
	v3 =	vadd.s32 v1, v3  }
0x3d: {  	v4 =	vadd.s32 s16, v0  }
0x3e: {  	vm0 =	vgt.s32 v4, $0xFFFFFF80  }
0x3f: {  	s13 =	sadd.s32 $0x40, s13;
	v4 =	vnsel vm0, $0xFFFFFF80, v4  }
0x40: {  	vm0 =	vlt.s32 v4, $0x80;
	[tilespmem:s13+$0xFFFFFFD0] =	vst v2  }
0x41: {  	v2 =	vld.idx.msk [tilespmem:v3+s1+$0x0], $0xffff;
	v3 =	vnsel vm0, $0x80, v4  }
0x42: {  	v3 =	vshll.u32 v3, $0x4  }
0x43: {  	v3 =	vadd.s32 v1, v3  }
0x44: {  	v4 =	vadd.s32 s15, v0  }
.Ltmp0:
0x45: {  	vm0 =	vgt.s32 v4, $0xFFFFFF80;
	(pc) =	sbr.rel @p0 .LBB2_3-.Ltmp0, $4  }
0x46: {  	v4 =	vnsel vm0, $0xFFFFFF80, v4  }
0x47: {  	vm0 =	vlt.s32 v4, $0x80;
	[tilespmem:s13+$0xFFFFFFE0] =	vst v2  }
0x48: {  	v2 =	vld.idx.msk [tilespmem:v3+s1+$0x0], $0xffff;
	v3 =	vnsel vm0, $0x80, v4  }
0x49: {  	s15 =	sadd.s32 $0xFFFFFFC0, s15;
	v3 =	vshll.u32 v3, $0x4  }
0x4a: {  	v1 =	vadd.s32 v1, v3;
	_ =	sdelay $0x3  }
0x4b: {  	s12 =	sadd.s32 $0x1, s12;
	[tilespmem:s13+$0xFFFFFFF0] =	vst v2  }
0x4c: {  	p0 =	sne.s32 s12, $0x10;
	v1 =	vld.idx.msk [tilespmem:v1+s1+$0x0], $0xffff  }
.Ltmp1:
0x4d: {  	_ = 	snop;
	(pc) =	sbr.rel @p0 .LBB2_2-.Ltmp1, $2  }
0x4e: {  	_ =	sdelay $0x2  }
0x4f: {  	s11 =	sadd.s32 $0x1000, s11;
	[tilespmem:s13+$0x0] =	vst v1  }
0x50: {  	s11 =	simm.s32 $0x0;
	s12 =	smov.u32 s7  }
.LBB2_6:
0x51: {  	s14 =	sadd.s32 $0xFFFFF880, s12  }
0x52: {  	s13 =	rddreg [dreg:$0x3];
	s14 =	sand.u32 $0xFFFFFFF8, s14  }
0x53: {  	s13 =	sadd.s32 s11, s13;
	s15 =	sadd.s32 $0x1010, s14  }
0x54: {  	[hbm4b:s13+s1] =	stream.linear.scatter [tilespmem:s15], [sflag:$0x1], $0x80, $0x38;
	[tilespmem:$0x11010] =	vst v63  }
0x55: {  	s22 =	sadd.s32 $0x2010, s14;
	s16 =	sadd.s32 $0x10, s13  }
0x56: {  	[hbm4b:s16+s1] =	stream.linear.scatter [tilespmem:s22], [sflag:$0x1], $0x80, $0x38;
	[tilespmem:$0x11010] =	vst v63  }
0x57: {  	s23 =	sadd.s32 $0x3010, s14;
	s24 =	sadd.s32 $0x20, s13  }
0x58: {  	[hbm4b:s24+s1] =	stream.linear.scatter [tilespmem:s23], [sflag:$0x1], $0x80, $0x38;
	[tilespmem:$0x11010] =	vst v63  }
0x59: {  	s25 =	sadd.s32 $0x4010, s14;
	s26 =	sadd.s32 $0x30, s13  }
0x5a: {  	[hbm4b:s26+s1] =	stream.linear.scatter [tilespmem:s25], [sflag:$0x1], $0x80, $0x38;
	[tilespmem:$0x11010] =	vst v63  }
0x5b: {  	s28 =	sadd.s32 $0x5010, s14;
	s29 =	sadd.s32 $0x40, s13  }
0x5c: {  	[hbm4b:s29+s1] =	stream.linear.scatter [tilespmem:s28], [sflag:$0x1], $0x80, $0x38;
	[tilespmem:$0x11010] =	vst v63  }
0x5d: {  	s30 =	sadd.s32 $0x6010, s14;
	s31 =	sadd.s32 $0x50, s13  }
0x5e: {  	[hbm4b:s31+s1] =	stream.linear.scatter [tilespmem:s30], [sflag:$0x1], $0x80, $0x38;
	[tilespmem:$0x11010] =	vst v63  }
0x5f: {  	s17 =	sadd.s32 $0x7010, s14;
	s18 =	sadd.s32 $0x60, s13  }
0x60: {  	[hbm4b:s18+s1] =	stream.linear.scatter [tilespmem:s17], [sflag:$0x1], $0x80, $0x38;
	[tilespmem:$0x11010] =	vst v63  }
0x61: {  	s19 =	sadd.s32 $0x8010, s14;
	s20 =	sadd.s32 $0x70, s13  }
0x62: {  	[hbm4b:s20+s1] =	stream.linear.scatter [tilespmem:s19], [sflag:$0x1], $0x80, $0x38;
	[tilespmem:$0x11010] =	vst v63  }
0x63: {  	s21 =	sadd.s32 $0x9010, s14;
	s22 =	sadd.s32 $0x800, s13  }
0x64: {  	[hbm4b:s22+s1] =	stream.linear.scatter [tilespmem:s21], [sflag:$0x1], $0x80, $0x38;
	[tilespmem:$0x11010] =	vst v63  }
0x65: {  	s23 =	sadd.s32 $0xA010, s14;
	s24 =	sadd.s32 $0x810, s13  }
0x66: {  	[hbm4b:s24+s1] =	stream.linear.scatter [tilespmem:s23], [sflag:$0x1], $0x80, $0x38;
	[tilespmem:$0x11010] =	vst v63  }
0x67: {  	s25 =	sadd.s32 $0xB010, s14;
	s26 =	sadd.s32 $0x820, s13  }
0x68: {  	[hbm4b:s26+s1] =	stream.linear.scatter [tilespmem:s25], [sflag:$0x1], $0x80, $0x38;
	[tilespmem:$0x11010] =	vst v63  }
0x69: {  	s28 =	sadd.s32 $0xC010, s14;
	s29 =	sadd.s32 $0x830, s13  }
0x6a: {  	[hbm4b:s29+s1] =	stream.linear.scatter [tilespmem:s28], [sflag:$0x1], $0x80, $0x38;
	[tilespmem:$0x11010] =	vst v63  }
0x6b: {  	s30 =	sadd.s32 $0xD010, s14;
	s31 =	sadd.s32 $0x840, s13  }
0x6c: {  	[hbm4b:s31+s1] =	stream.linear.scatter [tilespmem:s30], [sflag:$0x1], $0x80, $0x38;
	[tilespmem:$0x11010] =	vst v63  }
0x6d: {  	s16 =	sadd.s32 $0xE010, s14;
	s17 =	sadd.s32 $0x850, s13  }
0x6e: {  	[hbm4b:s17+s1] =	stream.linear.scatter [tilespmem:s16], [sflag:$0x1], $0x80, $0x38;
	[tilespmem:$0x11010] =	vst v63  }
0x6f: {  	s18 =	sadd.s32 $0xF010, s14;
	s14 =	sadd.s32 $0x10010, s14;
	s19 =	sadd.s32 $0x860, s13  }
0x70: {  	[hbm4b:s19+s1] =	stream.linear.scatter [tilespmem:s18], [sflag:$0x1], $0x80, $0x38;
	[tilespmem:$0x11010] =	vst v63  }
0x71: {  	s13 =	sadd.s32 $0x870, s13;
	s20 =	rddreg [dreg:$0x4];
	s21 =	sadd.s32 $0xFFFFF900, s12  }
0x72: {  	[hbm4b:s13+s1] =	stream.linear.scatter [tilespmem:s14], [sflag:$0x1], $0x80, $0x38;
	[tilespmem:$0x11010] =	vst v63  }
0x73: {  	s13 =	sadd.s32 s11, s20;
	s14 =	sand.u32 $0xFFFFFFF8, s21  }
0x74: {  	s15 =	sadd.s32 $0x80, s13;
	s22 =	sadd.s32 $0x1010, s14  }
0x75: {  	[hbm4b:s15+s1] =	stream.linear.scatter [tilespmem:s22], [sflag:$0x1], $0x80, $0x38;
	[tilespmem:$0x11010] =	vst v63  }
0x76: {  	s23 =	sadd.s32 $0x2010, s14;
	s24 =	sadd.s32 $0x90, s13  }
0x77: {  	[hbm4b:s24+s1] =	stream.linear.scatter [tilespmem:s23], [sflag:$0x1], $0x80, $0x38;
	[tilespmem:$0x11010] =	vst v63  }
0x78: {  	s25 =	sadd.s32 $0x3010, s14;
	s26 =	sadd.s32 $0xA0, s13  }
0x79: {  	[hbm4b:s26+s1] =	stream.linear.scatter [tilespmem:s25], [sflag:$0x1], $0x80, $0x38;
	[tilespmem:$0x11010] =	vst v63  }
0x7a: {  	s28 =	sadd.s32 $0x4010, s14;
	s29 =	sadd.s32 $0xB0, s13  }
0x7b: {  	[hbm4b:s29+s1] =	stream.linear.scatter [tilespmem:s28], [sflag:$0x1], $0x80, $0x38;
	[tilespmem:$0x11010] =	vst v63  }
0x7c: {  	s30 =	sadd.s32 $0x5010, s14;
	s31 =	sadd.s32 $0xC0, s13  }
0x7d: {  	[hbm4b:s31+s1] =	stream.linear.scatter [tilespmem:s30], [sflag:$0x1], $0x80, $0x38;
	[tilespmem:$0x11010] =	vst v63  }
0x7e: {  	s17 =	sadd.s32 $0x6010, s14;
	s18 =	sadd.s32 $0xD0, s13  }
0x7f: {  	[hbm4b:s18+s1] =	stream.linear.scatter [tilespmem:s17], [sflag:$0x1], $0x80, $0x38;
	[tilespmem:$0x11010] =	vst v63  }
0x80: {  	s19 =	sadd.s32 $0x7010, s14;
	s20 =	sadd.s32 $0xE0, s13  }
0x81: {  	[hbm4b:s20+s1] =	stream.linear.scatter [tilespmem:s19], [sflag:$0x1], $0x80, $0x38;
	[tilespmem:$0x11010] =	vst v63  }
0x82: {  	s21 =	sadd.s32 $0x8010, s14;
	s22 =	sadd.s32 $0xF0, s13  }
0x83: {  	[hbm4b:s22+s1] =	stream.linear.scatter [tilespmem:s21], [sflag:$0x1], $0x80, $0x38;
	[tilespmem:$0x11010] =	vst v63  }
0x84: {  	s23 =	sadd.s32 $0x9010, s14;
	s24 =	sadd.s32 $0x880, s13  }
0x85: {  	[hbm4b:s24+s1] =	stream.linear.scatter [tilespmem:s23], [sflag:$0x1], $0x80, $0x38;
	[tilespmem:$0x11010] =	vst v63  }
0x86: {  	s25 =	sadd.s32 $0xA010, s14;
	s26 =	sadd.s32 $0x890, s13  }
0x87: {  	[hbm4b:s26+s1] =	stream.linear.scatter [tilespmem:s25], [sflag:$0x1], $0x80, $0x38;
	[tilespmem:$0x11010] =	vst v63  }
0x88: {  	s28 =	sadd.s32 $0xB010, s14;
	s29 =	sadd.s32 $0x8A0, s13  }
0x89: {  	[hbm4b:s29+s1] =	stream.linear.scatter [tilespmem:s28], [sflag:$0x1], $0x80, $0x38;
	[tilespmem:$0x11010] =	vst v63  }
0x8a: {  	s30 =	sadd.s32 $0xC010, s14;
	s31 =	sadd.s32 $0x8B0, s13  }
0x8b: {  	[hbm4b:s31+s1] =	stream.linear.scatter [tilespmem:s30], [sflag:$0x1], $0x80, $0x38;
	[tilespmem:$0x11010] =	vst v63  }
0x8c: {  	s17 =	sadd.s32 $0xD010, s14;
	s18 =	sadd.s32 $0x8C0, s13  }
0x8d: {  	[hbm4b:s18+s1] =	stream.linear.scatter [tilespmem:s17], [sflag:$0x1], $0x80, $0x38;
	[tilespmem:$0x11010] =	vst v63  }
0x8e: {  	s19 =	sadd.s32 $0xE010, s14;
	s20 =	sadd.s32 $0x8D0, s13  }
0x8f: {  	[hbm4b:s20+s1] =	stream.linear.scatter [tilespmem:s19], [sflag:$0x1], $0x80, $0x38;
	[tilespmem:$0x11010] =	vst v63  }
0x90: {  	s21 =	sadd.s32 $0xF010, s14;
	s22 =	sadd.s32 $0x8E0, s13  }
0x91: {  	[hbm4b:s22+s1] =	stream.linear.scatter [tilespmem:s21], [sflag:$0x1], $0x80, $0x38;
	[tilespmem:$0x11010] =	vst v63  }
0x92: {  	s14 =	sadd.s32 $0x10010, s14;
	s23 =	sadd.s32 $0x8F0, s13;
	s24 =	sadd.s32 $0xFFFFF980, s12  }
0x93: {  	[hbm4b:s23+s1] =	stream.linear.scatter [tilespmem:s14], [sflag:$0x1], $0x80, $0x38;
	[tilespmem:$0x11010] =	vst v63  }
0x94: {  	s14 =	sand.u32 $0xFFFFFFF8, s24  }
0x95: {  	s25 =	sadd.s32 $0x100, s13;
	s26 =	sadd.s32 $0x1010, s14  }
0x96: {  	[hbm4b:s25+s1] =	stream.linear.scatter [tilespmem:s26], [sflag:$0x1], $0x80, $0x38;
	[tilespmem:$0x11010] =	vst v63  }
0x97: {  	s29 =	sadd.s32 $0x110, s13;
	s28 =	sadd.s32 $0x2010, s14  }
0x98: {  	[hbm4b:s29+s1] =	stream.linear.scatter [tilespmem:s28], [sflag:$0x1], $0x80, $0x38;
	[tilespmem:$0x11010] =	vst v63  }
0x99: {  	s31 =	sadd.s32 $0x120, s13;
	s30 =	sadd.s32 $0x3010, s14  }
0x9a: {  	[hbm4b:s31+s1] =	stream.linear.scatter [tilespmem:s30], [sflag:$0x1], $0x80, $0x38;
	[tilespmem:$0x11010] =	vst v63  }
0x9b: {  	s18 =	sadd.s32 $0x130, s13;
	s17 =	sadd.s32 $0x4010, s14  }
0x9c: {  	[hbm4b:s18+s1] =	stream.linear.scatter [tilespmem:s17], [sflag:$0x1], $0x80, $0x38;
	[tilespmem:$0x11010] =	vst v63  }
0x9d: {  	s20 =	sadd.s32 $0x140, s13;
	s19 =	sadd.s32 $0x5010, s14  }
0x9e: {  	[hbm4b:s20+s1] =	stream.linear.scatter [tilespmem:s19], [sflag:$0x1], $0x80, $0x38;
	[tilespmem:$0x11010] =	vst v63  }
0x9f: {  	s22 =	sadd.s32 $0x150, s13;
	s21 =	sadd.s32 $0x6010, s14  }
0xa0: {  	[hbm4b:s22+s1] =	stream.linear.scatter [tilespmem:s21], [sflag:$0x1], $0x80, $0x38;
	[tilespmem:$0x11010] =	vst v63  }
0xa1: {  	s24 =	sadd.s32 $0x160, s13;
	s23 =	sadd.s32 $0x7010, s14  }
0xa2: {  	[hbm4b:s24+s1] =	stream.linear.scatter [tilespmem:s23], [sflag:$0x1], $0x80, $0x38;
	[tilespmem:$0x11010] =	vst v63  }
0xa3: {  	s25 =	sadd.s32 $0x8010, s14;
	s26 =	sadd.s32 $0x170, s13  }
0xa4: {  	[hbm4b:s26+s1] =	stream.linear.scatter [tilespmem:s25], [sflag:$0x1], $0x80, $0x38;
	[tilespmem:$0x11010] =	vst v63  }
0xa5: {  	s28 =	sadd.s32 $0x9010, s14;
	s29 =	sadd.s32 $0x900, s13  }
0xa6: {  	[hbm4b:s29+s1] =	stream.linear.scatter [tilespmem:s28], [sflag:$0x1], $0x80, $0x38;
	[tilespmem:$0x11010] =	vst v63  }
0xa7: {  	s30 =	sadd.s32 $0xA010, s14;
	s31 =	sadd.s32 $0x910, s13  }
0xa8: {  	[hbm4b:s31+s1] =	stream.linear.scatter [tilespmem:s30], [sflag:$0x1], $0x80, $0x38;
	[tilespmem:$0x11010] =	vst v63  }
0xa9: {  	s17 =	sadd.s32 $0xB010, s14;
	s18 =	sadd.s32 $0x920, s13  }
0xaa: {  	[hbm4b:s18+s1] =	stream.linear.scatter [tilespmem:s17], [sflag:$0x1], $0x80, $0x38;
	[tilespmem:$0x11010] =	vst v63  }
0xab: {  	s19 =	sadd.s32 $0xC010, s14;
	s20 =	sadd.s32 $0x930, s13  }
0xac: {  	[hbm4b:s20+s1] =	stream.linear.scatter [tilespmem:s19], [sflag:$0x1], $0x80, $0x38;
	[tilespmem:$0x11010] =	vst v63  }
0xad: {  	s21 =	sadd.s32 $0xD010, s14;
	s22 =	sadd.s32 $0x940, s13  }
0xae: {  	[hbm4b:s22+s1] =	stream.linear.scatter [tilespmem:s21], [sflag:$0x1], $0x80, $0x38;
	[tilespmem:$0x11010] =	vst v63  }
0xaf: {  	s23 =	sadd.s32 $0xE010, s14;
	s24 =	sadd.s32 $0x950, s13  }
0xb0: {  	[hbm4b:s24+s1] =	stream.linear.scatter [tilespmem:s23], [sflag:$0x1], $0x80, $0x38;
	[tilespmem:$0x11010] =	vst v63  }
0xb1: {  	s25 =	sadd.s32 $0xF010, s14;
	s26 =	sadd.s32 $0x960, s13  }
0xb2: {  	[hbm4b:s26+s1] =	stream.linear.scatter [tilespmem:s25], [sflag:$0x1], $0x80, $0x38;
	[tilespmem:$0x11010] =	vst v63  }
0xb3: {  	s14 =	sadd.s32 $0x10010, s14;
	s28 =	sadd.s32 $0x970, s13;
	s29 =	sadd.s32 $0xFFFFFA00, s12  }
0xb4: {  	[hbm4b:s28+s1] =	stream.linear.scatter [tilespmem:s14], [sflag:$0x1], $0x80, $0x38;
	[tilespmem:$0x11010] =	vst v63  }
0xb5: {  	s14 =	sand.u32 $0xFFFFFFF8, s29  }
0xb6: {  	s30 =	sadd.s32 $0x180, s13;
	s31 =	sadd.s32 $0x1010, s14  }
0xb7: {  	[hbm4b:s30+s1] =	stream.linear.scatter [tilespmem:s31], [sflag:$0x1], $0x80, $0x38;
	[tilespmem:$0x11010] =	vst v63  }
0xb8: {  	s18 =	sadd.s32 $0x190, s13;
	s17 =	sadd.s32 $0x2010, s14  }
0xb9: {  	[hbm4b:s18+s1] =	stream.linear.scatter [tilespmem:s17], [sflag:$0x1], $0x80, $0x38;
	[tilespmem:$0x11010] =	vst v63  }
0xba: {  	s20 =	sadd.s32 $0x1A0, s13;
	s19 =	sadd.s32 $0x3010, s14  }
0xbb: {  	[hbm4b:s20+s1] =	stream.linear.scatter [tilespmem:s19], [sflag:$0x1], $0x80, $0x38;
	[tilespmem:$0x11010] =	vst v63  }
0xbc: {  	s22 =	sadd.s32 $0x1B0, s13;
	s21 =	sadd.s32 $0x4010, s14  }
0xbd: {  	[hbm4b:s22+s1] =	stream.linear.scatter [tilespmem:s21], [sflag:$0x1], $0x80, $0x38;
	[tilespmem:$0x11010] =	vst v63  }
0xbe: {  	s24 =	sadd.s32 $0x1C0, s13;
	s23 =	sadd.s32 $0x5010, s14  }
0xbf: {  	[hbm4b:s24+s1] =	stream.linear.scatter [tilespmem:s23], [sflag:$0x1], $0x80, $0x38;
	[tilespmem:$0x11010] =	vst v63  }
0xc0: {  	s26 =	sadd.s32 $0x1D0, s13;
	s25 =	sadd.s32 $0x6010, s14  }
0xc1: {  	[hbm4b:s26+s1] =	stream.linear.scatter [tilespmem:s25], [sflag:$0x1], $0x80, $0x38;
	[tilespmem:$0x11010] =	vst v63  }
0xc2: {  	s29 =	sadd.s32 $0x1E0, s13;
	s28 =	sadd.s32 $0x7010, s14  }
0xc3: {  	[hbm4b:s29+s1] =	stream.linear.scatter [tilespmem:s28], [sflag:$0x1], $0x80, $0x38;
	[tilespmem:$0x11010] =	vst v63  }
0xc4: {  	s30 =	sadd.s32 $0x8010, s14;
	s31 =	sadd.s32 $0x1F0, s13  }
0xc5: {  	[hbm4b:s31+s1] =	stream.linear.scatter [tilespmem:s30], [sflag:$0x1], $0x80, $0x38;
	[tilespmem:$0x11010] =	vst v63  }
0xc6: {  	s16 =	sadd.s32 $0x9010, s14;
	s17 =	sadd.s32 $0x980, s13  }
0xc7: {  	[hbm4b:s17+s1] =	stream.linear.scatter [tilespmem:s16], [sflag:$0x1], $0x80, $0x38;
	[tilespmem:$0x11010] =	vst v63  }
0xc8: {  	s18 =	sadd.s32 $0xA010, s14;
	s19 =	sadd.s32 $0x990, s13  }
0xc9: {  	[hbm4b:s19+s1] =	stream.linear.scatter [tilespmem:s18], [sflag:$0x1], $0x80, $0x38;
	[tilespmem:$0x11010] =	vst v63  }
0xca: {  	s20 =	sadd.s32 $0xB010, s14;
	s21 =	sadd.s32 $0x9A0, s13  }
0xcb: {  	[hbm4b:s21+s1] =	stream.linear.scatter [tilespmem:s20], [sflag:$0x1], $0x80, $0x38;
	[tilespmem:$0x11010] =	vst v63  }
0xcc: {  	s22 =	sadd.s32 $0xC010, s14;
	s23 =	sadd.s32 $0x9B0, s13  }
0xcd: {  	[hbm4b:s23+s1] =	stream.linear.scatter [tilespmem:s22], [sflag:$0x1], $0x80, $0x38;
	[tilespmem:$0x11010] =	vst v63  }
0xce: {  	s24 =	sadd.s32 $0xD010, s14;
	s25 =	sadd.s32 $0x9C0, s13  }
0xcf: {  	[hbm4b:s25+s1] =	stream.linear.scatter [tilespmem:s24], [sflag:$0x1], $0x80, $0x38;
	[tilespmem:$0x11010] =	vst v63  }
0xd0: {  	s26 =	sadd.s32 $0xE010, s14;
	s28 =	sadd.s32 $0x9D0, s13  }
0xd1: {  	[hbm4b:s28+s1] =	stream.linear.scatter [tilespmem:s26], [sflag:$0x1], $0x80, $0x38;
	[tilespmem:$0x11010] =	vst v63  }
0xd2: {  	s29 =	sadd.s32 $0xF010, s14;
	s30 =	sadd.s32 $0x9E0, s13  }
0xd3: {  	[hbm4b:s30+s1] =	stream.linear.scatter [tilespmem:s29], [sflag:$0x1], $0x80, $0x38;
	[tilespmem:$0x11010] =	vst v63  }
0xd4: {  	s14 =	sadd.s32 $0x10010, s14;
	s31 =	sadd.s32 $0x9F0, s13;
	s16 =	sadd.s32 $0xFFFFFA80, s12  }
0xd5: {  	[hbm4b:s31+s1] =	stream.linear.scatter [tilespmem:s14], [sflag:$0x1], $0x80, $0x38;
	[tilespmem:$0x11010] =	vst v63  }
0xd6: {  	s14 =	sand.u32 $0xFFFFFFF8, s16  }
0xd7: {  	s17 =	sadd.s32 $0x200, s13;
	s18 =	sadd.s32 $0x1010, s14  }
0xd8: {  	[hbm4b:s17+s1] =	stream.linear.scatter [tilespmem:s18], [sflag:$0x1], $0x80, $0x38;
	[tilespmem:$0x11010] =	vst v63  }
0xd9: {  	s20 =	sadd.s32 $0x210, s13;
	s19 =	sadd.s32 $0x2010, s14  }
0xda: {  	[hbm4b:s20+s1] =	stream.linear.scatter [tilespmem:s19], [sflag:$0x1], $0x80, $0x38;
	[tilespmem:$0x11010] =	vst v63  }
0xdb: {  	s22 =	sadd.s32 $0x220, s13;
	s21 =	sadd.s32 $0x3010, s14  }
0xdc: {  	[hbm4b:s22+s1] =	stream.linear.scatter [tilespmem:s21], [sflag:$0x1], $0x80, $0x38;
	[tilespmem:$0x11010] =	vst v63  }
0xdd: {  	s24 =	sadd.s32 $0x230, s13;
	s23 =	sadd.s32 $0x4010, s14  }
0xde: {  	[hbm4b:s24+s1] =	stream.linear.scatter [tilespmem:s23], [sflag:$0x1], $0x80, $0x38;
	[tilespmem:$0x11010] =	vst v63  }
0xdf: {  	s26 =	sadd.s32 $0x240, s13;
	s25 =	sadd.s32 $0x5010, s14  }
0xe0: {  	[hbm4b:s26+s1] =	stream.linear.scatter [tilespmem:s25], [sflag:$0x1], $0x80, $0x38;
	[tilespmem:$0x11010] =	vst v63  }
0xe1: {  	s29 =	sadd.s32 $0x250, s13;
	s28 =	sadd.s32 $0x6010, s14  }
0xe2: {  	[hbm4b:s29+s1] =	stream.linear.scatter [tilespmem:s28], [sflag:$0x1], $0x80, $0x38;
	[tilespmem:$0x11010] =	vst v63  }
0xe3: {  	s31 =	sadd.s32 $0x260, s13;
	s30 =	sadd.s32 $0x7010, s14  }
0xe4: {  	[hbm4b:s31+s1] =	stream.linear.scatter [tilespmem:s30], [sflag:$0x1], $0x80, $0x38;
	[tilespmem:$0x11010] =	vst v63  }
0xe5: {  	s17 =	sadd.s32 $0x8010, s14;
	s18 =	sadd.s32 $0x270, s13  }
0xe6: {  	[hbm4b:s18+s1] =	stream.linear.scatter [tilespmem:s17], [sflag:$0x1], $0x80, $0x38;
	[tilespmem:$0x11010] =	vst v63  }
0xe7: {  	s19 =	sadd.s32 $0x9010, s14;
	s20 =	sadd.s32 $0xA00, s13  }
0xe8: {  	[hbm4b:s20+s1] =	stream.linear.scatter [tilespmem:s19], [sflag:$0x1], $0x80, $0x38;
	[tilespmem:$0x11010] =	vst v63  }
0xe9: {  	s21 =	sadd.s32 $0xA010, s14;
	s22 =	sadd.s32 $0xA10, s13  }
0xea: {  	[hbm4b:s22+s1] =	stream.linear.scatter [tilespmem:s21], [sflag:$0x1], $0x80, $0x38;
	[tilespmem:$0x11010] =	vst v63  }
0xeb: {  	s23 =	sadd.s32 $0xB010, s14;
	s24 =	sadd.s32 $0xA20, s13  }
0xec: {  	[hbm4b:s24+s1] =	stream.linear.scatter [tilespmem:s23], [sflag:$0x1], $0x80, $0x38;
	[tilespmem:$0x11010] =	vst v63  }
0xed: {  	s25 =	sadd.s32 $0xC010, s14;
	s26 =	sadd.s32 $0xA30, s13  }
0xee: {  	[hbm4b:s26+s1] =	stream.linear.scatter [tilespmem:s25], [sflag:$0x1], $0x80, $0x38;
	[tilespmem:$0x11010] =	vst v63  }
0xef: {  	s28 =	sadd.s32 $0xD010, s14;
	s29 =	sadd.s32 $0xA40, s13  }
0xf0: {  	[hbm4b:s29+s1] =	stream.linear.scatter [tilespmem:s28], [sflag:$0x1], $0x80, $0x38;
	[tilespmem:$0x11010] =	vst v63  }
0xf1: {  	s30 =	sadd.s32 $0xE010, s14;
	s31 =	sadd.s32 $0xA50, s13  }
0xf2: {  	[hbm4b:s31+s1] =	stream.linear.scatter [tilespmem:s30], [sflag:$0x1], $0x80, $0x38;
	[tilespmem:$0x11010] =	vst v63  }
0xf3: {  	s17 =	sadd.s32 $0xF010, s14;
	s18 =	sadd.s32 $0xA60, s13  }
0xf4: {  	[hbm4b:s18+s1] =	stream.linear.scatter [tilespmem:s17], [sflag:$0x1], $0x80, $0x38;
	[tilespmem:$0x11010] =	vst v63  }
0xf5: {  	s14 =	sadd.s32 $0x10010, s14;
	s19 =	sadd.s32 $0xA70, s13;
	s20 =	sadd.s32 $0xFFFFFB00, s12  }
0xf6: {  	[hbm4b:s19+s1] =	stream.linear.scatter [tilespmem:s14], [sflag:$0x1], $0x80, $0x38;
	[tilespmem:$0x11010] =	vst v63  }
0xf7: {  	s14 =	sand.u32 $0xFFFFFFF8, s20  }
0xf8: {  	s21 =	sadd.s32 $0x280, s13;
	s22 =	sadd.s32 $0x1010, s14  }
0xf9: {  	[hbm4b:s21+s1] =	stream.linear.scatter [tilespmem:s22], [sflag:$0x1], $0x80, $0x38;
	[tilespmem:$0x11010] =	vst v63  }
0xfa: {  	s24 =	sadd.s32 $0x290, s13;
	s23 =	sadd.s32 $0x2010, s14  }
0xfb: {  	[hbm4b:s24+s1] =	stream.linear.scatter [tilespmem:s23], [sflag:$0x1], $0x80, $0x38;
	[tilespmem:$0x11010] =	vst v63  }
0xfc: {  	s26 =	sadd.s32 $0x2A0, s13;
	s25 =	sadd.s32 $0x3010, s14  }
0xfd: {  	[hbm4b:s26+s1] =	stream.linear.scatter [tilespmem:s25], [sflag:$0x1], $0x80, $0x38;
	[tilespmem:$0x11010] =	vst v63  }
0xfe: {  	s29 =	sadd.s32 $0x2B0, s13;
	s28 =	sadd.s32 $0x4010, s14  }
0xff: {  	[hbm4b:s29+s1] =	stream.linear.scatter [tilespmem:s28], [sflag:$0x1], $0x80, $0x38;
	[tilespmem:$0x11010] =	vst v63  }
0x100: {  	s31 =	sadd.s32 $0x2C0, s13;
	s30 =	sadd.s32 $0x5010, s14  }
0x101: {  	[hbm4b:s31+s1] =	stream.linear.scatter [tilespmem:s30], [sflag:$0x1], $0x80, $0x38;
	[tilespmem:$0x11010] =	vst v63  }
0x102: {  	s18 =	sadd.s32 $0x2D0, s13;
	s17 =	sadd.s32 $0x6010, s14  }
0x103: {  	[hbm4b:s18+s1] =	stream.linear.scatter [tilespmem:s17], [sflag:$0x1], $0x80, $0x38;
	[tilespmem:$0x11010] =	vst v63  }
0x104: {  	s20 =	sadd.s32 $0x2E0, s13;
	s19 =	sadd.s32 $0x7010, s14  }
0x105: {  	[hbm4b:s20+s1] =	stream.linear.scatter [tilespmem:s19], [sflag:$0x1], $0x80, $0x38;
	[tilespmem:$0x11010] =	vst v63  }
0x106: {  	s21 =	sadd.s32 $0x8010, s14;
	s22 =	sadd.s32 $0x2F0, s13  }
0x107: {  	[hbm4b:s22+s1] =	stream.linear.scatter [tilespmem:s21], [sflag:$0x1], $0x80, $0x38;
	[tilespmem:$0x11010] =	vst v63  }
0x108: {  	s23 =	sadd.s32 $0x9010, s14;
	s24 =	sadd.s32 $0xA80, s13  }
0x109: {  	[hbm4b:s24+s1] =	stream.linear.scatter [tilespmem:s23], [sflag:$0x1], $0x80, $0x38;
	[tilespmem:$0x11010] =	vst v63  }
0x10a: {  	s25 =	sadd.s32 $0xA010, s14;
	s26 =	sadd.s32 $0xA90, s13  }
0x10b: {  	[hbm4b:s26+s1] =	stream.linear.scatter [tilespmem:s25], [sflag:$0x1], $0x80, $0x38;
	[tilespmem:$0x11010] =	vst v63  }
0x10c: {  	s28 =	sadd.s32 $0xB010, s14;
	s29 =	sadd.s32 $0xAA0, s13  }
0x10d: {  	[hbm4b:s29+s1] =	stream.linear.scatter [tilespmem:s28], [sflag:$0x1], $0x80, $0x38;
	[tilespmem:$0x11010] =	vst v63  }
0x10e: {  	s30 =	sadd.s32 $0xC010, s14;
	s31 =	sadd.s32 $0xAB0, s13  }
0x10f: {  	[hbm4b:s31+s1] =	stream.linear.scatter [tilespmem:s30], [sflag:$0x1], $0x80, $0x38;
	[tilespmem:$0x11010] =	vst v63  }
0x110: {  	s17 =	sadd.s32 $0xD010, s14;
	s18 =	sadd.s32 $0xAC0, s13  }
0x111: {  	[hbm4b:s18+s1] =	stream.linear.scatter [tilespmem:s17], [sflag:$0x1], $0x80, $0x38;
	[tilespmem:$0x11010] =	vst v63  }
0x112: {  	s19 =	sadd.s32 $0xE010, s14;
	s20 =	sadd.s32 $0xAD0, s13  }
0x113: {  	[hbm4b:s20+s1] =	stream.linear.scatter [tilespmem:s19], [sflag:$0x1], $0x80, $0x38;
	[tilespmem:$0x11010] =	vst v63  }
0x114: {  	s21 =	sadd.s32 $0xF010, s14;
	s22 =	sadd.s32 $0xAE0, s13  }
0x115: {  	[hbm4b:s22+s1] =	stream.linear.scatter [tilespmem:s21], [sflag:$0x1], $0x80, $0x38;
	[tilespmem:$0x11010] =	vst v63  }
0x116: {  	s14 =	sadd.s32 $0x10010, s14;
	s23 =	sadd.s32 $0xAF0, s13;
	s24 =	sadd.s32 $0xFFFFFB80, s12  }
0x117: {  	[hbm4b:s23+s1] =	stream.linear.scatter [tilespmem:s14], [sflag:$0x1], $0x80, $0x38;
	[tilespmem:$0x11010] =	vst v63  }
0x118: {  	s14 =	sand.u32 $0xFFFFFFF8, s24  }
0x119: {  	s25 =	sadd.s32 $0x300, s13;
	s26 =	sadd.s32 $0x1010, s14  }
0x11a: {  	[hbm4b:s25+s1] =	stream.linear.scatter [tilespmem:s26], [sflag:$0x1], $0x80, $0x38;
	[tilespmem:$0x11010] =	vst v63  }
0x11b: {  	s29 =	sadd.s32 $0x310, s13;
	s28 =	sadd.s32 $0x2010, s14  }
0x11c: {  	[hbm4b:s29+s1] =	stream.linear.scatter [tilespmem:s28], [sflag:$0x1], $0x80, $0x38;
	[tilespmem:$0x11010] =	vst v63  }
0x11d: {  	s31 =	sadd.s32 $0x320, s13;
	s30 =	sadd.s32 $0x3010, s14  }
0x11e: {  	[hbm4b:s31+s1] =	stream.linear.scatter [tilespmem:s30], [sflag:$0x1], $0x80, $0x38;
	[tilespmem:$0x11010] =	vst v63  }
0x11f: {  	s18 =	sadd.s32 $0x330, s13;
	s17 =	sadd.s32 $0x4010, s14  }
0x120: {  	[hbm4b:s18+s1] =	stream.linear.scatter [tilespmem:s17], [sflag:$0x1], $0x80, $0x38;
	[tilespmem:$0x11010] =	vst v63  }
0x121: {  	s20 =	sadd.s32 $0x340, s13;
	s19 =	sadd.s32 $0x5010, s14  }
0x122: {  	[hbm4b:s20+s1] =	stream.linear.scatter [tilespmem:s19], [sflag:$0x1], $0x80, $0x38;
	[tilespmem:$0x11010] =	vst v63  }
0x123: {  	s22 =	sadd.s32 $0x350, s13;
	s21 =	sadd.s32 $0x6010, s14  }
0x124: {  	[hbm4b:s22+s1] =	stream.linear.scatter [tilespmem:s21], [sflag:$0x1], $0x80, $0x38;
	[tilespmem:$0x11010] =	vst v63  }
0x125: {  	s24 =	sadd.s32 $0x360, s13;
	s23 =	sadd.s32 $0x7010, s14  }
0x126: {  	[hbm4b:s24+s1] =	stream.linear.scatter [tilespmem:s23], [sflag:$0x1], $0x80, $0x38;
	[tilespmem:$0x11010] =	vst v63  }
0x127: {  	s25 =	sadd.s32 $0x8010, s14;
	s26 =	sadd.s32 $0x370, s13  }
0x128: {  	[hbm4b:s26+s1] =	stream.linear.scatter [tilespmem:s25], [sflag:$0x1], $0x80, $0x38;
	[tilespmem:$0x11010] =	vst v63  }
0x129: {  	s28 =	sadd.s32 $0x9010, s14;
	s29 =	sadd.s32 $0xB00, s13  }
0x12a: {  	[hbm4b:s29+s1] =	stream.linear.scatter [tilespmem:s28], [sflag:$0x1], $0x80, $0x38;
	[tilespmem:$0x11010] =	vst v63  }
0x12b: {  	s30 =	sadd.s32 $0xA010, s14;
	s31 =	sadd.s32 $0xB10, s13  }
0x12c: {  	[hbm4b:s31+s1] =	stream.linear.scatter [tilespmem:s30], [sflag:$0x1], $0x80, $0x38;
	[tilespmem:$0x11010] =	vst v63  }
0x12d: {  	s17 =	sadd.s32 $0xB010, s14;
	s18 =	sadd.s32 $0xB20, s13  }
0x12e: {  	[hbm4b:s18+s1] =	stream.linear.scatter [tilespmem:s17], [sflag:$0x1], $0x80, $0x38;
	[tilespmem:$0x11010] =	vst v63  }
0x12f: {  	s19 =	sadd.s32 $0xC010, s14;
	s20 =	sadd.s32 $0xB30, s13  }
0x130: {  	[hbm4b:s20+s1] =	stream.linear.scatter [tilespmem:s19], [sflag:$0x1], $0x80, $0x38;
	[tilespmem:$0x11010] =	vst v63  }
0x131: {  	s21 =	sadd.s32 $0xD010, s14;
	s22 =	sadd.s32 $0xB40, s13  }
0x132: {  	[hbm4b:s22+s1] =	stream.linear.scatter [tilespmem:s21], [sflag:$0x1], $0x80, $0x38;
	[tilespmem:$0x11010] =	vst v63  }
0x133: {  	s23 =	sadd.s32 $0xE010, s14;
	s24 =	sadd.s32 $0xB50, s13  }
0x134: {  	[hbm4b:s24+s1] =	stream.linear.scatter [tilespmem:s23], [sflag:$0x1], $0x80, $0x38;
	[tilespmem:$0x11010] =	vst v63  }
0x135: {  	s25 =	sadd.s32 $0xF010, s14;
	s26 =	sadd.s32 $0xB60, s13  }
0x136: {  	[hbm4b:s26+s1] =	stream.linear.scatter [tilespmem:s25], [sflag:$0x1], $0x80, $0x38;
	[tilespmem:$0x11010] =	vst v63  }
0x137: {  	s14 =	sadd.s32 $0x10010, s14;
	s28 =	sadd.s32 $0xB70, s13;
	s29 =	sadd.s32 $0xFFFFFC00, s12  }
0x138: {  	[hbm4b:s28+s1] =	stream.linear.scatter [tilespmem:s14], [sflag:$0x1], $0x80, $0x38;
	[tilespmem:$0x11010] =	vst v63  }
0x139: {  	s14 =	sand.u32 $0xFFFFFFF8, s29  }
0x13a: {  	s30 =	sadd.s32 $0x380, s13;
	s31 =	sadd.s32 $0x1010, s14  }
0x13b: {  	[hbm4b:s30+s1] =	stream.linear.scatter [tilespmem:s31], [sflag:$0x1], $0x80, $0x38;
	[tilespmem:$0x11010] =	vst v63  }
0x13c: {  	s18 =	sadd.s32 $0x390, s13;
	s17 =	sadd.s32 $0x2010, s14  }
0x13d: {  	[hbm4b:s18+s1] =	stream.linear.scatter [tilespmem:s17], [sflag:$0x1], $0x80, $0x38;
	[tilespmem:$0x11010] =	vst v63  }
0x13e: {  	s20 =	sadd.s32 $0x3A0, s13;
	s19 =	sadd.s32 $0x3010, s14  }
0x13f: {  	[hbm4b:s20+s1] =	stream.linear.scatter [tilespmem:s19], [sflag:$0x1], $0x80, $0x38;
	[tilespmem:$0x11010] =	vst v63  }
0x140: {  	s22 =	sadd.s32 $0x3B0, s13;
	s21 =	sadd.s32 $0x4010, s14  }
0x141: {  	[hbm4b:s22+s1] =	stream.linear.scatter [tilespmem:s21], [sflag:$0x1], $0x80, $0x38;
	[tilespmem:$0x11010] =	vst v63  }
0x142: {  	s24 =	sadd.s32 $0x3C0, s13;
	s23 =	sadd.s32 $0x5010, s14  }
0x143: {  	[hbm4b:s24+s1] =	stream.linear.scatter [tilespmem:s23], [sflag:$0x1], $0x80, $0x38;
	[tilespmem:$0x11010] =	vst v63  }
0x144: {  	s26 =	sadd.s32 $0x3D0, s13;
	s25 =	sadd.s32 $0x6010, s14  }
0x145: {  	[hbm4b:s26+s1] =	stream.linear.scatter [tilespmem:s25], [sflag:$0x1], $0x80, $0x38;
	[tilespmem:$0x11010] =	vst v63  }
0x146: {  	s29 =	sadd.s32 $0x3E0, s13;
	s28 =	sadd.s32 $0x7010, s14  }
0x147: {  	[hbm4b:s29+s1] =	stream.linear.scatter [tilespmem:s28], [sflag:$0x1], $0x80, $0x38;
	[tilespmem:$0x11010] =	vst v63  }
0x148: {  	s30 =	sadd.s32 $0x8010, s14;
	s31 =	sadd.s32 $0x3F0, s13  }
0x149: {  	[hbm4b:s31+s1] =	stream.linear.scatter [tilespmem:s30], [sflag:$0x1], $0x80, $0x38;
	[tilespmem:$0x11010] =	vst v63  }
0x14a: {  	s16 =	sadd.s32 $0x9010, s14;
	s17 =	sadd.s32 $0xB80, s13  }
0x14b: {  	[hbm4b:s17+s1] =	stream.linear.scatter [tilespmem:s16], [sflag:$0x1], $0x80, $0x38;
	[tilespmem:$0x11010] =	vst v63  }
0x14c: {  	s18 =	sadd.s32 $0xA010, s14;
	s19 =	sadd.s32 $0xB90, s13  }
0x14d: {  	[hbm4b:s19+s1] =	stream.linear.scatter [tilespmem:s18], [sflag:$0x1], $0x80, $0x38;
	[tilespmem:$0x11010] =	vst v63  }
0x14e: {  	s20 =	sadd.s32 $0xB010, s14;
	s21 =	sadd.s32 $0xBA0, s13  }
0x14f: {  	[hbm4b:s21+s1] =	stream.linear.scatter [tilespmem:s20], [sflag:$0x1], $0x80, $0x38;
	[tilespmem:$0x11010] =	vst v63  }
0x150: {  	s22 =	sadd.s32 $0xC010, s14;
	s23 =	sadd.s32 $0xBB0, s13  }
0x151: {  	[hbm4b:s23+s1] =	stream.linear.scatter [tilespmem:s22], [sflag:$0x1], $0x80, $0x38;
	[tilespmem:$0x11010] =	vst v63  }
0x152: {  	s24 =	sadd.s32 $0xD010, s14;
	s25 =	sadd.s32 $0xBC0, s13  }
0x153: {  	[hbm4b:s25+s1] =	stream.linear.scatter [tilespmem:s24], [sflag:$0x1], $0x80, $0x38;
	[tilespmem:$0x11010] =	vst v63  }
0x154: {  	s26 =	sadd.s32 $0xE010, s14;
	s28 =	sadd.s32 $0xBD0, s13  }
0x155: {  	[hbm4b:s28+s1] =	stream.linear.scatter [tilespmem:s26], [sflag:$0x1], $0x80, $0x38;
	[tilespmem:$0x11010] =	vst v63  }
0x156: {  	s29 =	sadd.s32 $0xF010, s14;
	s30 =	sadd.s32 $0xBE0, s13  }
0x157: {  	[hbm4b:s30+s1] =	stream.linear.scatter [tilespmem:s29], [sflag:$0x1], $0x80, $0x38;
	[tilespmem:$0x11010] =	vst v63  }
0x158: {  	s14 =	sadd.s32 $0x10010, s14;
	s31 =	sadd.s32 $0xBF0, s13;
	s16 =	sadd.s32 $0xFFFFFC80, s12  }
0x159: {  	[hbm4b:s31+s1] =	stream.linear.scatter [tilespmem:s14], [sflag:$0x1], $0x80, $0x38;
	[tilespmem:$0x11010] =	vst v63  }
0x15a: {  	s14 =	sand.u32 $0xFFFFFFF8, s16  }
0x15b: {  	s17 =	sadd.s32 $0x400, s13;
	s18 =	sadd.s32 $0x1010, s14  }
0x15c: {  	[hbm4b:s17+s1] =	stream.linear.scatter [tilespmem:s18], [sflag:$0x1], $0x80, $0x38;
	[tilespmem:$0x11010] =	vst v63  }
0x15d: {  	s20 =	sadd.s32 $0x410, s13;
	s19 =	sadd.s32 $0x2010, s14  }
0x15e: {  	[hbm4b:s20+s1] =	stream.linear.scatter [tilespmem:s19], [sflag:$0x1], $0x80, $0x38;
	[tilespmem:$0x11010] =	vst v63  }
0x15f: {  	s22 =	sadd.s32 $0x420, s13;
	s21 =	sadd.s32 $0x3010, s14  }
0x160: {  	[hbm4b:s22+s1] =	stream.linear.scatter [tilespmem:s21], [sflag:$0x1], $0x80, $0x38;
	[tilespmem:$0x11010] =	vst v63  }
0x161: {  	s24 =	sadd.s32 $0x430, s13;
	s23 =	sadd.s32 $0x4010, s14  }
0x162: {  	[hbm4b:s24+s1] =	stream.linear.scatter [tilespmem:s23], [sflag:$0x1], $0x80, $0x38;
	[tilespmem:$0x11010] =	vst v63  }
0x163: {  	s26 =	sadd.s32 $0x440, s13;
	s25 =	sadd.s32 $0x5010, s14  }
0x164: {  	[hbm4b:s26+s1] =	stream.linear.scatter [tilespmem:s25], [sflag:$0x1], $0x80, $0x38;
	[tilespmem:$0x11010] =	vst v63  }
0x165: {  	s29 =	sadd.s32 $0x450, s13;
	s28 =	sadd.s32 $0x6010, s14  }
0x166: {  	[hbm4b:s29+s1] =	stream.linear.scatter [tilespmem:s28], [sflag:$0x1], $0x80, $0x38;
	[tilespmem:$0x11010] =	vst v63  }
0x167: {  	s31 =	sadd.s32 $0x460, s13;
	s30 =	sadd.s32 $0x7010, s14  }
0x168: {  	[hbm4b:s31+s1] =	stream.linear.scatter [tilespmem:s30], [sflag:$0x1], $0x80, $0x38;
	[tilespmem:$0x11010] =	vst v63  }
0x169: {  	s17 =	sadd.s32 $0x8010, s14;
	s18 =	sadd.s32 $0x470, s13  }
0x16a: {  	[hbm4b:s18+s1] =	stream.linear.scatter [tilespmem:s17], [sflag:$0x1], $0x80, $0x38;
	[tilespmem:$0x11010] =	vst v63  }
0x16b: {  	s19 =	sadd.s32 $0x9010, s14;
	s20 =	sadd.s32 $0xC00, s13  }
0x16c: {  	[hbm4b:s20+s1] =	stream.linear.scatter [tilespmem:s19], [sflag:$0x1], $0x80, $0x38;
	[tilespmem:$0x11010] =	vst v63  }
0x16d: {  	s21 =	sadd.s32 $0xA010, s14;
	s22 =	sadd.s32 $0xC10, s13  }
0x16e: {  	[hbm4b:s22+s1] =	stream.linear.scatter [tilespmem:s21], [sflag:$0x1], $0x80, $0x38;
	[tilespmem:$0x11010] =	vst v63  }
0x16f: {  	s23 =	sadd.s32 $0xB010, s14;
	s24 =	sadd.s32 $0xC20, s13  }
0x170: {  	[hbm4b:s24+s1] =	stream.linear.scatter [tilespmem:s23], [sflag:$0x1], $0x80, $0x38;
	[tilespmem:$0x11010] =	vst v63  }
0x171: {  	s25 =	sadd.s32 $0xC010, s14;
	s26 =	sadd.s32 $0xC30, s13  }
0x172: {  	[hbm4b:s26+s1] =	stream.linear.scatter [tilespmem:s25], [sflag:$0x1], $0x80, $0x38;
	[tilespmem:$0x11010] =	vst v63  }
0x173: {  	s28 =	sadd.s32 $0xD010, s14;
	s29 =	sadd.s32 $0xC40, s13  }
0x174: {  	[hbm4b:s29+s1] =	stream.linear.scatter [tilespmem:s28], [sflag:$0x1], $0x80, $0x38;
	[tilespmem:$0x11010] =	vst v63  }
0x175: {  	s30 =	sadd.s32 $0xE010, s14;
	s31 =	sadd.s32 $0xC50, s13  }
0x176: {  	[hbm4b:s31+s1] =	stream.linear.scatter [tilespmem:s30], [sflag:$0x1], $0x80, $0x38;
	[tilespmem:$0x11010] =	vst v63  }
0x177: {  	s17 =	sadd.s32 $0xF010, s14;
	s18 =	sadd.s32 $0xC60, s13  }
0x178: {  	[hbm4b:s18+s1] =	stream.linear.scatter [tilespmem:s17], [sflag:$0x1], $0x80, $0x38;
	[tilespmem:$0x11010] =	vst v63  }
0x179: {  	s14 =	sadd.s32 $0x10010, s14;
	s19 =	sadd.s32 $0xC70, s13;
	s20 =	sadd.s32 $0xFFFFFD00, s12  }
0x17a: {  	[hbm4b:s19+s1] =	stream.linear.scatter [tilespmem:s14], [sflag:$0x1], $0x80, $0x38;
	[tilespmem:$0x11010] =	vst v63  }
0x17b: {  	s14 =	sand.u32 $0xFFFFFFF8, s20  }
0x17c: {  	s21 =	sadd.s32 $0x480, s13;
	s22 =	sadd.s32 $0x1010, s14  }
0x17d: {  	[hbm4b:s21+s1] =	stream.linear.scatter [tilespmem:s22], [sflag:$0x1], $0x80, $0x38;
	[tilespmem:$0x11010] =	vst v63  }
0x17e: {  	s24 =	sadd.s32 $0x490, s13;
	s23 =	sadd.s32 $0x2010, s14  }
0x17f: {  	[hbm4b:s24+s1] =	stream.linear.scatter [tilespmem:s23], [sflag:$0x1], $0x80, $0x38;
	[tilespmem:$0x11010] =	vst v63  }
0x180: {  	s26 =	sadd.s32 $0x4A0, s13;
	s25 =	sadd.s32 $0x3010, s14  }
0x181: {  	[hbm4b:s26+s1] =	stream.linear.scatter [tilespmem:s25], [sflag:$0x1], $0x80, $0x38;
	[tilespmem:$0x11010] =	vst v63  }
0x182: {  	s29 =	sadd.s32 $0x4B0, s13;
	s28 =	sadd.s32 $0x4010, s14  }
0x183: {  	[hbm4b:s29+s1] =	stream.linear.scatter [tilespmem:s28], [sflag:$0x1], $0x80, $0x38;
	[tilespmem:$0x11010] =	vst v63  }
0x184: {  	s31 =	sadd.s32 $0x4C0, s13;
	s30 =	sadd.s32 $0x5010, s14  }
0x185: {  	[hbm4b:s31+s1] =	stream.linear.scatter [tilespmem:s30], [sflag:$0x1], $0x80, $0x38;
	[tilespmem:$0x11010] =	vst v63  }
0x186: {  	s18 =	sadd.s32 $0x4D0, s13;
	s17 =	sadd.s32 $0x6010, s14  }
0x187: {  	[hbm4b:s18+s1] =	stream.linear.scatter [tilespmem:s17], [sflag:$0x1], $0x80, $0x38;
	[tilespmem:$0x11010] =	vst v63  }
0x188: {  	s20 =	sadd.s32 $0x4E0, s13;
	s19 =	sadd.s32 $0x7010, s14  }
0x189: {  	[hbm4b:s20+s1] =	stream.linear.scatter [tilespmem:s19], [sflag:$0x1], $0x80, $0x38;
	[tilespmem:$0x11010] =	vst v63  }
0x18a: {  	s21 =	sadd.s32 $0x8010, s14;
	s22 =	sadd.s32 $0x4F0, s13  }
0x18b: {  	[hbm4b:s22+s1] =	stream.linear.scatter [tilespmem:s21], [sflag:$0x1], $0x80, $0x38;
	[tilespmem:$0x11010] =	vst v63  }
0x18c: {  	s23 =	sadd.s32 $0x9010, s14;
	s24 =	sadd.s32 $0xC80, s13  }
0x18d: {  	[hbm4b:s24+s1] =	stream.linear.scatter [tilespmem:s23], [sflag:$0x1], $0x80, $0x38;
	[tilespmem:$0x11010] =	vst v63  }
0x18e: {  	s25 =	sadd.s32 $0xA010, s14;
	s26 =	sadd.s32 $0xC90, s13  }
0x18f: {  	[hbm4b:s26+s1] =	stream.linear.scatter [tilespmem:s25], [sflag:$0x1], $0x80, $0x38;
	[tilespmem:$0x11010] =	vst v63  }
0x190: {  	s28 =	sadd.s32 $0xB010, s14;
	s29 =	sadd.s32 $0xCA0, s13  }
0x191: {  	[hbm4b:s29+s1] =	stream.linear.scatter [tilespmem:s28], [sflag:$0x1], $0x80, $0x38;
	[tilespmem:$0x11010] =	vst v63  }
0x192: {  	s30 =	sadd.s32 $0xC010, s14;
	s31 =	sadd.s32 $0xCB0, s13  }
0x193: {  	[hbm4b:s31+s1] =	stream.linear.scatter [tilespmem:s30], [sflag:$0x1], $0x80, $0x38;
	[tilespmem:$0x11010] =	vst v63  }
0x194: {  	s17 =	sadd.s32 $0xD010, s14;
	s18 =	sadd.s32 $0xCC0, s13  }
0x195: {  	[hbm4b:s18+s1] =	stream.linear.scatter [tilespmem:s17], [sflag:$0x1], $0x80, $0x38;
	[tilespmem:$0x11010] =	vst v63  }
0x196: {  	s19 =	sadd.s32 $0xE010, s14;
	s20 =	sadd.s32 $0xCD0, s13  }
0x197: {  	[hbm4b:s20+s1] =	stream.linear.scatter [tilespmem:s19], [sflag:$0x1], $0x80, $0x38;
	[tilespmem:$0x11010] =	vst v63  }
0x198: {  	s21 =	sadd.s32 $0xF010, s14;
	s22 =	sadd.s32 $0xCE0, s13  }
0x199: {  	[hbm4b:s22+s1] =	stream.linear.scatter [tilespmem:s21], [sflag:$0x1], $0x80, $0x38;
	[tilespmem:$0x11010] =	vst v63  }
0x19a: {  	s14 =	sadd.s32 $0x10010, s14;
	s23 =	sadd.s32 $0xCF0, s13;
	s24 =	sadd.s32 $0xFFFFFD80, s12  }
0x19b: {  	[hbm4b:s23+s1] =	stream.linear.scatter [tilespmem:s14], [sflag:$0x1], $0x80, $0x38;
	[tilespmem:$0x11010] =	vst v63  }
0x19c: {  	s14 =	sand.u32 $0xFFFFFFF8, s24  }
0x19d: {  	s25 =	sadd.s32 $0x500, s13;
	s26 =	sadd.s32 $0x1010, s14  }
0x19e: {  	[hbm4b:s25+s1] =	stream.linear.scatter [tilespmem:s26], [sflag:$0x1], $0x80, $0x38;
	[tilespmem:$0x11010] =	vst v63  }
0x19f: {  	s29 =	sadd.s32 $0x510, s13;
	s28 =	sadd.s32 $0x2010, s14  }
0x1a0: {  	[hbm4b:s29+s1] =	stream.linear.scatter [tilespmem:s28], [sflag:$0x1], $0x80, $0x38;
	[tilespmem:$0x11010] =	vst v63  }
0x1a1: {  	s31 =	sadd.s32 $0x520, s13;
	s30 =	sadd.s32 $0x3010, s14  }
0x1a2: {  	[hbm4b:s31+s1] =	stream.linear.scatter [tilespmem:s30], [sflag:$0x1], $0x80, $0x38;
	[tilespmem:$0x11010] =	vst v63  }
0x1a3: {  	s18 =	sadd.s32 $0x530, s13;
	s17 =	sadd.s32 $0x4010, s14  }
0x1a4: {  	[hbm4b:s18+s1] =	stream.linear.scatter [tilespmem:s17], [sflag:$0x1], $0x80, $0x38;
	[tilespmem:$0x11010] =	vst v63  }
0x1a5: {  	s20 =	sadd.s32 $0x540, s13;
	s19 =	sadd.s32 $0x5010, s14  }
0x1a6: {  	[hbm4b:s20+s1] =	stream.linear.scatter [tilespmem:s19], [sflag:$0x1], $0x80, $0x38;
	[tilespmem:$0x11010] =	vst v63  }
0x1a7: {  	s22 =	sadd.s32 $0x550, s13;
	s21 =	sadd.s32 $0x6010, s14  }
0x1a8: {  	[hbm4b:s22+s1] =	stream.linear.scatter [tilespmem:s21], [sflag:$0x1], $0x80, $0x38;
	[tilespmem:$0x11010] =	vst v63  }
0x1a9: {  	s24 =	sadd.s32 $0x560, s13;
	s23 =	sadd.s32 $0x7010, s14  }
0x1aa: {  	[hbm4b:s24+s1] =	stream.linear.scatter [tilespmem:s23], [sflag:$0x1], $0x80, $0x38;
	[tilespmem:$0x11010] =	vst v63  }
0x1ab: {  	s25 =	sadd.s32 $0x8010, s14;
	s26 =	sadd.s32 $0x570, s13  }
0x1ac: {  	[hbm4b:s26+s1] =	stream.linear.scatter [tilespmem:s25], [sflag:$0x1], $0x80, $0x38;
	[tilespmem:$0x11010] =	vst v63  }
0x1ad: {  	s28 =	sadd.s32 $0x9010, s14;
	s29 =	sadd.s32 $0xD00, s13  }
0x1ae: {  	[hbm4b:s29+s1] =	stream.linear.scatter [tilespmem:s28], [sflag:$0x1], $0x80, $0x38;
	[tilespmem:$0x11010] =	vst v63  }
0x1af: {  	s30 =	sadd.s32 $0xA010, s14;
	s31 =	sadd.s32 $0xD10, s13  }
0x1b0: {  	[hbm4b:s31+s1] =	stream.linear.scatter [tilespmem:s30], [sflag:$0x1], $0x80, $0x38;
	[tilespmem:$0x11010] =	vst v63  }
0x1b1: {  	s17 =	sadd.s32 $0xB010, s14;
	s18 =	sadd.s32 $0xD20, s13  }
0x1b2: {  	[hbm4b:s18+s1] =	stream.linear.scatter [tilespmem:s17], [sflag:$0x1], $0x80, $0x38;
	[tilespmem:$0x11010] =	vst v63  }
0x1b3: {  	s19 =	sadd.s32 $0xC010, s14;
	s20 =	sadd.s32 $0xD30, s13  }
0x1b4: {  	[hbm4b:s20+s1] =	stream.linear.scatter [tilespmem:s19], [sflag:$0x1], $0x80, $0x38;
	[tilespmem:$0x11010] =	vst v63  }
0x1b5: {  	s21 =	sadd.s32 $0xD010, s14;
	s22 =	sadd.s32 $0xD40, s13  }
0x1b6: {  	[hbm4b:s22+s1] =	stream.linear.scatter [tilespmem:s21], [sflag:$0x1], $0x80, $0x38;
	[tilespmem:$0x11010] =	vst v63  }
0x1b7: {  	s23 =	sadd.s32 $0xE010, s14;
	s24 =	sadd.s32 $0xD50, s13  }
0x1b8: {  	[hbm4b:s24+s1] =	stream.linear.scatter [tilespmem:s23], [sflag:$0x1], $0x80, $0x38;
	[tilespmem:$0x11010] =	vst v63  }
0x1b9: {  	s25 =	sadd.s32 $0xF010, s14;
	s26 =	sadd.s32 $0xD60, s13  }
0x1ba: {  	[hbm4b:s26+s1] =	stream.linear.scatter [tilespmem:s25], [sflag:$0x1], $0x80, $0x38;
	[tilespmem:$0x11010] =	vst v63  }
0x1bb: {  	s14 =	sadd.s32 $0x10010, s14;
	s28 =	sadd.s32 $0xD70, s13;
	s29 =	sadd.s32 $0xFFFFFE00, s12  }
0x1bc: {  	[hbm4b:s28+s1] =	stream.linear.scatter [tilespmem:s14], [sflag:$0x1], $0x80, $0x38;
	[tilespmem:$0x11010] =	vst v63  }
0x1bd: {  	s14 =	sand.u32 $0xFFFFFFF8, s29  }
0x1be: {  	s30 =	sadd.s32 $0x580, s13;
	s31 =	sadd.s32 $0x1010, s14  }
0x1bf: {  	[hbm4b:s30+s1] =	stream.linear.scatter [tilespmem:s31], [sflag:$0x1], $0x80, $0x38;
	[tilespmem:$0x11010] =	vst v63  }
0x1c0: {  	s18 =	sadd.s32 $0x590, s13;
	s17 =	sadd.s32 $0x2010, s14  }
0x1c1: {  	[hbm4b:s18+s1] =	stream.linear.scatter [tilespmem:s17], [sflag:$0x1], $0x80, $0x38;
	[tilespmem:$0x11010] =	vst v63  }
0x1c2: {  	s20 =	sadd.s32 $0x5A0, s13;
	s19 =	sadd.s32 $0x3010, s14  }
0x1c3: {  	[hbm4b:s20+s1] =	stream.linear.scatter [tilespmem:s19], [sflag:$0x1], $0x80, $0x38;
	[tilespmem:$0x11010] =	vst v63  }
0x1c4: {  	s22 =	sadd.s32 $0x5B0, s13;
	s21 =	sadd.s32 $0x4010, s14  }
0x1c5: {  	[hbm4b:s22+s1] =	stream.linear.scatter [tilespmem:s21], [sflag:$0x1], $0x80, $0x38;
	[tilespmem:$0x11010] =	vst v63  }
0x1c6: {  	s24 =	sadd.s32 $0x5C0, s13;
	s23 =	sadd.s32 $0x5010, s14  }
0x1c7: {  	[hbm4b:s24+s1] =	stream.linear.scatter [tilespmem:s23], [sflag:$0x1], $0x80, $0x38;
	[tilespmem:$0x11010] =	vst v63  }
0x1c8: {  	s26 =	sadd.s32 $0x5D0, s13;
	s25 =	sadd.s32 $0x6010, s14  }
0x1c9: {  	[hbm4b:s26+s1] =	stream.linear.scatter [tilespmem:s25], [sflag:$0x1], $0x80, $0x38;
	[tilespmem:$0x11010] =	vst v63  }
0x1ca: {  	s29 =	sadd.s32 $0x5E0, s13;
	s28 =	sadd.s32 $0x7010, s14  }
0x1cb: {  	[hbm4b:s29+s1] =	stream.linear.scatter [tilespmem:s28], [sflag:$0x1], $0x80, $0x38;
	[tilespmem:$0x11010] =	vst v63  }
0x1cc: {  	s30 =	sadd.s32 $0x8010, s14;
	s31 =	sadd.s32 $0x5F0, s13  }
0x1cd: {  	[hbm4b:s31+s1] =	stream.linear.scatter [tilespmem:s30], [sflag:$0x1], $0x80, $0x38;
	[tilespmem:$0x11010] =	vst v63  }
0x1ce: {  	s17 =	sadd.s32 $0x9010, s14;
	s18 =	sadd.s32 $0xD80, s13  }
0x1cf: {  	[hbm4b:s18+s1] =	stream.linear.scatter [tilespmem:s17], [sflag:$0x1], $0x80, $0x38;
	[tilespmem:$0x11010] =	vst v63  }
0x1d0: {  	s19 =	sadd.s32 $0xA010, s14;
	s20 =	sadd.s32 $0xD90, s13  }
0x1d1: {  	[hbm4b:s20+s1] =	stream.linear.scatter [tilespmem:s19], [sflag:$0x1], $0x80, $0x38;
	[tilespmem:$0x11010] =	vst v63  }
0x1d2: {  	s21 =	sadd.s32 $0xB010, s14;
	s22 =	sadd.s32 $0xDA0, s13  }
0x1d3: {  	[hbm4b:s22+s1] =	stream.linear.scatter [tilespmem:s21], [sflag:$0x1], $0x80, $0x38;
	[tilespmem:$0x11010] =	vst v63  }
0x1d4: {  	s23 =	sadd.s32 $0xC010, s14;
	s24 =	sadd.s32 $0xDB0, s13  }
0x1d5: {  	[hbm4b:s24+s1] =	stream.linear.scatter [tilespmem:s23], [sflag:$0x1], $0x80, $0x38;
	[tilespmem:$0x11010] =	vst v63  }
0x1d6: {  	s25 =	sadd.s32 $0xD010, s14;
	s26 =	sadd.s32 $0xDC0, s13  }
0x1d7: {  	[hbm4b:s26+s1] =	stream.linear.scatter [tilespmem:s25], [sflag:$0x1], $0x80, $0x38;
	[tilespmem:$0x11010] =	vst v63  }
0x1d8: {  	s28 =	sadd.s32 $0xE010, s14;
	s29 =	sadd.s32 $0xDD0, s13  }
0x1d9: {  	[hbm4b:s29+s1] =	stream.linear.scatter [tilespmem:s28], [sflag:$0x1], $0x80, $0x38;
	[tilespmem:$0x11010] =	vst v63  }
0x1da: {  	s30 =	sadd.s32 $0xF010, s14;
	s31 =	sadd.s32 $0xDE0, s13  }
0x1db: {  	[hbm4b:s31+s1] =	stream.linear.scatter [tilespmem:s30], [sflag:$0x1], $0x80, $0x38;
	[tilespmem:$0x11010] =	vst v63  }
0x1dc: {  	s14 =	sadd.s32 $0x10010, s14;
	s17 =	sadd.s32 $0xDF0, s13;
	s18 =	sadd.s32 $0xFFFFFE80, s12  }
0x1dd: {  	[hbm4b:s17+s1] =	stream.linear.scatter [tilespmem:s14], [sflag:$0x1], $0x80, $0x38;
	[tilespmem:$0x11010] =	vst v63  }
0x1de: {  	s14 =	sand.u32 $0xFFFFFFF8, s18  }
0x1df: {  	s19 =	sadd.s32 $0x600, s13;
	s20 =	sadd.s32 $0x1010, s14  }
0x1e0: {  	[hbm4b:s19+s1] =	stream.linear.scatter [tilespmem:s20], [sflag:$0x1], $0x80, $0x38;
	[tilespmem:$0x11010] =	vst v63  }
0x1e1: {  	s22 =	sadd.s32 $0x610, s13;
	s21 =	sadd.s32 $0x2010, s14  }
0x1e2: {  	[hbm4b:s22+s1] =	stream.linear.scatter [tilespmem:s21], [sflag:$0x1], $0x80, $0x38;
	[tilespmem:$0x11010] =	vst v63  }
0x1e3: {  	s24 =	sadd.s32 $0x620, s13;
	s23 =	sadd.s32 $0x3010, s14  }
0x1e4: {  	[hbm4b:s24+s1] =	stream.linear.scatter [tilespmem:s23], [sflag:$0x1], $0x80, $0x38;
	[tilespmem:$0x11010] =	vst v63  }
0x1e5: {  	s26 =	sadd.s32 $0x630, s13;
	s25 =	sadd.s32 $0x4010, s14  }
0x1e6: {  	[hbm4b:s26+s1] =	stream.linear.scatter [tilespmem:s25], [sflag:$0x1], $0x80, $0x38;
	[tilespmem:$0x11010] =	vst v63  }
0x1e7: {  	s29 =	sadd.s32 $0x640, s13;
	s28 =	sadd.s32 $0x5010, s14  }
0x1e8: {  	[hbm4b:s29+s1] =	stream.linear.scatter [tilespmem:s28], [sflag:$0x1], $0x80, $0x38;
	[tilespmem:$0x11010] =	vst v63  }
0x1e9: {  	s31 =	sadd.s32 $0x650, s13;
	s30 =	sadd.s32 $0x6010, s14  }
0x1ea: {  	[hbm4b:s31+s1] =	stream.linear.scatter [tilespmem:s30], [sflag:$0x1], $0x80, $0x38;
	[tilespmem:$0x11010] =	vst v63  }
0x1eb: {  	s18 =	sadd.s32 $0x660, s13;
	s17 =	sadd.s32 $0x7010, s14  }
0x1ec: {  	[hbm4b:s18+s1] =	stream.linear.scatter [tilespmem:s17], [sflag:$0x1], $0x80, $0x38;
	[tilespmem:$0x11010] =	vst v63  }
0x1ed: {  	s19 =	sadd.s32 $0x8010, s14;
	s20 =	sadd.s32 $0x670, s13  }
0x1ee: {  	[hbm4b:s20+s1] =	stream.linear.scatter [tilespmem:s19], [sflag:$0x1], $0x80, $0x38;
	[tilespmem:$0x11010] =	vst v63  }
0x1ef: {  	s21 =	sadd.s32 $0x9010, s14;
	s22 =	sadd.s32 $0xE00, s13  }
0x1f0: {  	[hbm4b:s22+s1] =	stream.linear.scatter [tilespmem:s21], [sflag:$0x1], $0x80, $0x38;
	[tilespmem:$0x11010] =	vst v63  }
0x1f1: {  	s23 =	sadd.s32 $0xA010, s14;
	s24 =	sadd.s32 $0xE10, s13  }
0x1f2: {  	[hbm4b:s24+s1] =	stream.linear.scatter [tilespmem:s23], [sflag:$0x1], $0x80, $0x38;
	[tilespmem:$0x11010] =	vst v63  }
0x1f3: {  	s25 =	sadd.s32 $0xB010, s14;
	s26 =	sadd.s32 $0xE20, s13  }
0x1f4: {  	[hbm4b:s26+s1] =	stream.linear.scatter [tilespmem:s25], [sflag:$0x1], $0x80, $0x38;
	[tilespmem:$0x11010] =	vst v63  }
0x1f5: {  	s28 =	sadd.s32 $0xC010, s14;
	s29 =	sadd.s32 $0xE30, s13  }
0x1f6: {  	[hbm4b:s29+s1] =	stream.linear.scatter [tilespmem:s28], [sflag:$0x1], $0x80, $0x38;
	[tilespmem:$0x11010] =	vst v63  }
0x1f7: {  	s30 =	sadd.s32 $0xD010, s14;
	s31 =	sadd.s32 $0xE40, s13  }
0x1f8: {  	[hbm4b:s31+s1] =	stream.linear.scatter [tilespmem:s30], [sflag:$0x1], $0x80, $0x38;
	[tilespmem:$0x11010] =	vst v63  }
0x1f9: {  	s17 =	sadd.s32 $0xE010, s14;
	s18 =	sadd.s32 $0xE50, s13  }
0x1fa: {  	[hbm4b:s18+s1] =	stream.linear.scatter [tilespmem:s17], [sflag:$0x1], $0x80, $0x38;
	[tilespmem:$0x11010] =	vst v63  }
0x1fb: {  	s19 =	sadd.s32 $0xF010, s14;
	s20 =	sadd.s32 $0xE60, s13  }
0x1fc: {  	[hbm4b:s20+s1] =	stream.linear.scatter [tilespmem:s19], [sflag:$0x1], $0x80, $0x38;
	[tilespmem:$0x11010] =	vst v63  }
0x1fd: {  	s14 =	sadd.s32 $0x10010, s14;
	s21 =	sadd.s32 $0xE70, s13;
	s22 =	sadd.s32 $0xFFFFFF00, s12  }
0x1fe: {  	[hbm4b:s21+s1] =	stream.linear.scatter [tilespmem:s14], [sflag:$0x1], $0x80, $0x38;
	[tilespmem:$0x11010] =	vst v63  }
0x1ff: {  	s14 =	sand.u32 $0xFFFFFFF8, s22  }
0x200: {  	s23 =	sadd.s32 $0x680, s13;
	s24 =	sadd.s32 $0x1010, s14  }
0x201: {  	[hbm4b:s23+s1] =	stream.linear.scatter [tilespmem:s24], [sflag:$0x1], $0x80, $0x38;
	[tilespmem:$0x11010] =	vst v63  }
0x202: {  	s26 =	sadd.s32 $0x690, s13;
	s25 =	sadd.s32 $0x2010, s14  }
0x203: {  	[hbm4b:s26+s1] =	stream.linear.scatter [tilespmem:s25], [sflag:$0x1], $0x80, $0x38;
	[tilespmem:$0x11010] =	vst v63  }
0x204: {  	s29 =	sadd.s32 $0x6A0, s13;
	s28 =	sadd.s32 $0x3010, s14  }
0x205: {  	[hbm4b:s29+s1] =	stream.linear.scatter [tilespmem:s28], [sflag:$0x1], $0x80, $0x38;
	[tilespmem:$0x11010] =	vst v63  }
0x206: {  	s31 =	sadd.s32 $0x6B0, s13;
	s30 =	sadd.s32 $0x4010, s14  }
0x207: {  	[hbm4b:s31+s1] =	stream.linear.scatter [tilespmem:s30], [sflag:$0x1], $0x80, $0x38;
	[tilespmem:$0x11010] =	vst v63  }
0x208: {  	s18 =	sadd.s32 $0x6C0, s13;
	s17 =	sadd.s32 $0x5010, s14  }
0x209: {  	[hbm4b:s18+s1] =	stream.linear.scatter [tilespmem:s17], [sflag:$0x1], $0x80, $0x38;
	[tilespmem:$0x11010] =	vst v63  }
0x20a: {  	s20 =	sadd.s32 $0x6D0, s13;
	s19 =	sadd.s32 $0x6010, s14  }
0x20b: {  	[hbm4b:s20+s1] =	stream.linear.scatter [tilespmem:s19], [sflag:$0x1], $0x80, $0x38;
	[tilespmem:$0x11010] =	vst v63  }
0x20c: {  	s22 =	sadd.s32 $0x6E0, s13;
	s21 =	sadd.s32 $0x7010, s14  }
0x20d: {  	[hbm4b:s22+s1] =	stream.linear.scatter [tilespmem:s21], [sflag:$0x1], $0x80, $0x38;
	[tilespmem:$0x11010] =	vst v63  }
0x20e: {  	s23 =	sadd.s32 $0x8010, s14;
	s24 =	sadd.s32 $0x6F0, s13  }
0x20f: {  	[hbm4b:s24+s1] =	stream.linear.scatter [tilespmem:s23], [sflag:$0x1], $0x80, $0x38;
	[tilespmem:$0x11010] =	vst v63  }
0x210: {  	s25 =	sadd.s32 $0x9010, s14;
	s26 =	sadd.s32 $0xE80, s13  }
0x211: {  	[hbm4b:s26+s1] =	stream.linear.scatter [tilespmem:s25], [sflag:$0x1], $0x80, $0x38;
	[tilespmem:$0x11010] =	vst v63  }
0x212: {  	s28 =	sadd.s32 $0xA010, s14;
	s29 =	sadd.s32 $0xE90, s13  }
0x213: {  	[hbm4b:s29+s1] =	stream.linear.scatter [tilespmem:s28], [sflag:$0x1], $0x80, $0x38;
	[tilespmem:$0x11010] =	vst v63  }
0x214: {  	s30 =	sadd.s32 $0xB010, s14;
	s31 =	sadd.s32 $0xEA0, s13  }
0x215: {  	[hbm4b:s31+s1] =	stream.linear.scatter [tilespmem:s30], [sflag:$0x1], $0x80, $0x38;
	[tilespmem:$0x11010] =	vst v63  }
0x216: {  	s17 =	sadd.s32 $0xC010, s14;
	s18 =	sadd.s32 $0xEB0, s13  }
0x217: {  	[hbm4b:s18+s1] =	stream.linear.scatter [tilespmem:s17], [sflag:$0x1], $0x80, $0x38;
	[tilespmem:$0x11010] =	vst v63  }
0x218: {  	s19 =	sadd.s32 $0xD010, s14;
	s20 =	sadd.s32 $0xEC0, s13  }
0x219: {  	[hbm4b:s20+s1] =	stream.linear.scatter [tilespmem:s19], [sflag:$0x1], $0x80, $0x38;
	[tilespmem:$0x11010] =	vst v63  }
0x21a: {  	s21 =	sadd.s32 $0xE010, s14;
	s22 =	sadd.s32 $0xED0, s13  }
0x21b: {  	[hbm4b:s22+s1] =	stream.linear.scatter [tilespmem:s21], [sflag:$0x1], $0x80, $0x38;
	[tilespmem:$0x11010] =	vst v63  }
0x21c: {  	s23 =	sadd.s32 $0xF010, s14;
	s24 =	sadd.s32 $0xEE0, s13  }
0x21d: {  	[hbm4b:s24+s1] =	stream.linear.scatter [tilespmem:s23], [sflag:$0x1], $0x80, $0x38;
	[tilespmem:$0x11010] =	vst v63  }
0x21e: {  	s14 =	sadd.s32 $0x10010, s14;
	s25 =	sadd.s32 $0xEF0, s13;
	s26 =	sadd.s32 $0xFFFFFF80, s12  }
0x21f: {  	[hbm4b:s25+s1] =	stream.linear.scatter [tilespmem:s14], [sflag:$0x1], $0x80, $0x38;
	[tilespmem:$0x11010] =	vst v63  }
0x220: {  	s14 =	sand.u32 $0xFFFFFFF8, s26  }
0x221: {  	s28 =	sadd.s32 $0x700, s13;
	s29 =	sadd.s32 $0x1010, s14  }
0x222: {  	[hbm4b:s28+s1] =	stream.linear.scatter [tilespmem:s29], [sflag:$0x1], $0x80, $0x38;
	[tilespmem:$0x11010] =	vst v63  }
0x223: {  	s31 =	sadd.s32 $0x710, s13;
	s30 =	sadd.s32 $0x2010, s14  }
0x224: {  	[hbm4b:s31+s1] =	stream.linear.scatter [tilespmem:s30], [sflag:$0x1], $0x80, $0x38;
	[tilespmem:$0x11010] =	vst v63  }
0x225: {  	s18 =	sadd.s32 $0x720, s13;
	s17 =	sadd.s32 $0x3010, s14  }
0x226: {  	[hbm4b:s18+s1] =	stream.linear.scatter [tilespmem:s17], [sflag:$0x1], $0x80, $0x38;
	[tilespmem:$0x11010] =	vst v63  }
0x227: {  	s20 =	sadd.s32 $0x730, s13;
	s19 =	sadd.s32 $0x4010, s14  }
0x228: {  	[hbm4b:s20+s1] =	stream.linear.scatter [tilespmem:s19], [sflag:$0x1], $0x80, $0x38;
	[tilespmem:$0x11010] =	vst v63  }
0x229: {  	s22 =	sadd.s32 $0x740, s13;
	s21 =	sadd.s32 $0x5010, s14  }
0x22a: {  	[hbm4b:s22+s1] =	stream.linear.scatter [tilespmem:s21], [sflag:$0x1], $0x80, $0x38;
	[tilespmem:$0x11010] =	vst v63  }
0x22b: {  	s24 =	sadd.s32 $0x750, s13;
	s23 =	sadd.s32 $0x6010, s14  }
0x22c: {  	[hbm4b:s24+s1] =	stream.linear.scatter [tilespmem:s23], [sflag:$0x1], $0x80, $0x38;
	[tilespmem:$0x11010] =	vst v63  }
0x22d: {  	s26 =	sadd.s32 $0x760, s13;
	s25 =	sadd.s32 $0x7010, s14  }
0x22e: {  	[hbm4b:s26+s1] =	stream.linear.scatter [tilespmem:s25], [sflag:$0x1], $0x80, $0x38;
	[tilespmem:$0x11010] =	vst v63  }
0x22f: {  	s28 =	sadd.s32 $0x8010, s14;
	s29 =	sadd.s32 $0x770, s13  }
0x230: {  	[hbm4b:s29+s1] =	stream.linear.scatter [tilespmem:s28], [sflag:$0x1], $0x80, $0x38;
	[tilespmem:$0x11010] =	vst v63  }
0x231: {  	s30 =	sadd.s32 $0x9010, s14;
	s31 =	sadd.s32 $0xF00, s13  }
0x232: {  	[hbm4b:s31+s1] =	stream.linear.scatter [tilespmem:s30], [sflag:$0x1], $0x80, $0x38;
	[tilespmem:$0x11010] =	vst v63  }
0x233: {  	s16 =	sadd.s32 $0xA010, s14;
	s17 =	sadd.s32 $0xF10, s13  }
0x234: {  	[hbm4b:s17+s1] =	stream.linear.scatter [tilespmem:s16], [sflag:$0x1], $0x80, $0x38;
	[tilespmem:$0x11010] =	vst v63  }
0x235: {  	s18 =	sadd.s32 $0xB010, s14;
	s19 =	sadd.s32 $0xF20, s13  }
0x236: {  	[hbm4b:s19+s1] =	stream.linear.scatter [tilespmem:s18], [sflag:$0x1], $0x80, $0x38;
	[tilespmem:$0x11010] =	vst v63  }
0x237: {  	s20 =	sadd.s32 $0xC010, s14;
	s21 =	sadd.s32 $0xF30, s13  }
0x238: {  	[hbm4b:s21+s1] =	stream.linear.scatter [tilespmem:s20], [sflag:$0x1], $0x80, $0x38;
	[tilespmem:$0x11010] =	vst v63  }
0x239: {  	s22 =	sadd.s32 $0xD010, s14;
	s23 =	sadd.s32 $0xF40, s13  }
0x23a: {  	[hbm4b:s23+s1] =	stream.linear.scatter [tilespmem:s22], [sflag:$0x1], $0x80, $0x38;
	[tilespmem:$0x11010] =	vst v63  }
0x23b: {  	s24 =	sadd.s32 $0xE010, s14;
	s25 =	sadd.s32 $0xF50, s13  }
0x23c: {  	[hbm4b:s25+s1] =	stream.linear.scatter [tilespmem:s24], [sflag:$0x1], $0x80, $0x38;
	[tilespmem:$0x11010] =	vst v63  }
0x23d: {  	s26 =	sadd.s32 $0xF010, s14;
	s28 =	sadd.s32 $0xF60, s13  }
0x23e: {  	[hbm4b:s28+s1] =	stream.linear.scatter [tilespmem:s26], [sflag:$0x1], $0x80, $0x38;
	[tilespmem:$0x11010] =	vst v63  }
0x23f: {  	s14 =	sadd.s32 $0x10010, s14;
	s29 =	sadd.s32 $0xF70, s13  }
0x240: {  	[hbm4b:s29+s1] =	stream.linear.scatter [tilespmem:s14], [sflag:$0x1], $0x80, $0x38;
	[tilespmem:$0x11010] =	vst v63  }
0x241: {  	s14 =	sand.u32 $0xFFFFFFF8, s12  }
0x242: {  	s30 =	sadd.s32 $0x780, s13;
	s31 =	sadd.s32 $0x1010, s14  }
0x243: {  	[hbm4b:s30+s1] =	stream.linear.scatter [tilespmem:s31], [sflag:$0x1], $0x80, $0x38;
	[tilespmem:$0x11010] =	vst v63  }
0x244: {  	s18 =	sadd.s32 $0x790, s13;
	s17 =	sadd.s32 $0x2010, s14  }
0x245: {  	[hbm4b:s18+s1] =	stream.linear.scatter [tilespmem:s17], [sflag:$0x1], $0x80, $0x38;
	[tilespmem:$0x11010] =	vst v63  }
0x246: {  	s20 =	sadd.s32 $0x7A0, s13;
	s19 =	sadd.s32 $0x3010, s14  }
0x247: {  	[hbm4b:s20+s1] =	stream.linear.scatter [tilespmem:s19], [sflag:$0x1], $0x80, $0x38;
	[tilespmem:$0x11010] =	vst v63  }
0x248: {  	s22 =	sadd.s32 $0x7B0, s13;
	s21 =	sadd.s32 $0x4010, s14  }
0x249: {  	[hbm4b:s22+s1] =	stream.linear.scatter [tilespmem:s21], [sflag:$0x1], $0x80, $0x38;
	[tilespmem:$0x11010] =	vst v63  }
0x24a: {  	s24 =	sadd.s32 $0x7C0, s13;
	s23 =	sadd.s32 $0x5010, s14  }
0x24b: {  	[hbm4b:s24+s1] =	stream.linear.scatter [tilespmem:s23], [sflag:$0x1], $0x80, $0x38;
	[tilespmem:$0x11010] =	vst v63  }
0x24c: {  	s26 =	sadd.s32 $0x7D0, s13;
	s25 =	sadd.s32 $0x6010, s14  }
0x24d: {  	[hbm4b:s26+s1] =	stream.linear.scatter [tilespmem:s25], [sflag:$0x1], $0x80, $0x38;
	[tilespmem:$0x11010] =	vst v63  }
0x24e: {  	s29 =	sadd.s32 $0x7E0, s13;
	s28 =	sadd.s32 $0x7010, s14  }
0x24f: {  	[hbm4b:s29+s1] =	stream.linear.scatter [tilespmem:s28], [sflag:$0x1], $0x80, $0x38;
	[tilespmem:$0x11010] =	vst v63  }
0x250: {  	s30 =	sadd.s32 $0x8010, s14;
	s31 =	sadd.s32 $0x7F0, s13  }
0x251: {  	[hbm4b:s31+s1] =	stream.linear.scatter [tilespmem:s30], [sflag:$0x1], $0x80, $0x38;
	[tilespmem:$0x11010] =	vst v63  }
0x252: {  	s17 =	sadd.s32 $0x9010, s14;
	s18 =	sadd.s32 $0xF80, s13  }
0x253: {  	[hbm4b:s18+s1] =	stream.linear.scatter [tilespmem:s17], [sflag:$0x1], $0x80, $0x38;
	[tilespmem:$0x11010] =	vst v63  }
0x254: {  	s19 =	sadd.s32 $0xA010, s14;
	s20 =	sadd.s32 $0xF90, s13  }
0x255: {  	[hbm4b:s20+s1] =	stream.linear.scatter [tilespmem:s19], [sflag:$0x1], $0x80, $0x38;
	[tilespmem:$0x11010] =	vst v63  }
0x256: {  	s21 =	sadd.s32 $0xB010, s14;
	s22 =	sadd.s32 $0xFA0, s13  }
0x257: {  	[hbm4b:s22+s1] =	stream.linear.scatter [tilespmem:s21], [sflag:$0x1], $0x80, $0x38;
	[tilespmem:$0x11010] =	vst v63  }
0x258: {  	s23 =	sadd.s32 $0xC010, s14;
	s24 =	sadd.s32 $0xFB0, s13  }
0x259: {  	[hbm4b:s24+s1] =	stream.linear.scatter [tilespmem:s23], [sflag:$0x1], $0x80, $0x38;
	[tilespmem:$0x11010] =	vst v63  }
0x25a: {  	s25 =	sadd.s32 $0xD010, s14;
	s26 =	sadd.s32 $0xFC0, s13  }
0x25b: {  	[hbm4b:s26+s1] =	stream.linear.scatter [tilespmem:s25], [sflag:$0x1], $0x80, $0x38;
	[tilespmem:$0x11010] =	vst v63  }
0x25c: {  	s28 =	sadd.s32 $0xE010, s14;
	s29 =	sadd.s32 $0xFD0, s13  }
0x25d: {  	[hbm4b:s29+s1] =	stream.linear.scatter [tilespmem:s28], [sflag:$0x1], $0x80, $0x38;
	[tilespmem:$0x11010] =	vst v63  }
0x25e: {  	s30 =	sadd.s32 $0xF010, s14;
	s31 =	sadd.s32 $0xFE0, s13  }
0x25f: {  	[hbm4b:s31+s1] =	stream.linear.scatter [tilespmem:s30], [sflag:$0x1], $0x80, $0x38;
	[tilespmem:$0x11010] =	vst v63  }
0x260: {  	s14 =	sadd.s32 $0x10010, s14;
	s13 =	sadd.s32 $0xFF0, s13  }
0x261: {  	[hbm4b:s13+s1] =	stream.linear.scatter [tilespmem:s14], [sflag:$0x1], $0x80, $0x38;
	[tilespmem:$0x11010] =	vst v63  }
0x262: {  	_ =	swait.ge [sflag:s9], $0x800  }
0x263: {  	[sflag:s9] =	ssyncset.done $0x0  }
0x264: {  	[sflag:s9] =	ssyncadd.s32 $0xFFFFF800  }
0x265: {  	_ =	swait.ge [sflag:s9], $0x800  }
0x266: {  	[sflag:s9] =	ssyncset.done $0x0  }
0x267: {  	[sflag:s9] =	ssyncadd.s32 $0xFFFFF800  }
0x268: {  	_ =	swait.ge [sflag:s9], $0x800  }
0x269: {  	[sflag:s9] =	ssyncset.done $0x0  }
0x26a: {  	[sflag:s9] =	ssyncadd.s32 $0xFFFFF800  }
0x26b: {  	_ =	swait.ge [sflag:s9], $0x800  }
0x26c: {  	[sflag:s9] =	ssyncset.done $0x0  }
0x26d: {  	[sflag:s9] =	ssyncadd.s32 $0xFFFFF800  }
0x26e: {  	_ =	swait.ge [sflag:s9], $0x800  }
0x26f: {  	[sflag:s9] =	ssyncset.done $0x0  }
0x270: {  	[sflag:s9] =	ssyncadd.s32 $0xFFFFF800  }
0x271: {  	_ =	swait.ge [sflag:s9], $0x800  }
0x272: {  	[sflag:s9] =	ssyncset.done $0x0  }
0x273: {  	[sflag:s9] =	ssyncadd.s32 $0xFFFFF800  }
0x274: {  	_ =	swait.ge [sflag:s9], $0x800  }
0x275: {  	[sflag:s9] =	ssyncset.done $0x0  }
0x276: {  	[sflag:s9] =	ssyncadd.s32 $0xFFFFF800  }
0x277: {  	_ =	swait.ge [sflag:s9], $0x800  }
0x278: {  	[sflag:s9] =	ssyncset.done $0x0  }
0x279: {  	[sflag:s9] =	ssyncadd.s32 $0xFFFFF800  }
0x27a: {  	_ =	swait.ge [sflag:s9], $0x800  }
0x27b: {  	[sflag:s9] =	ssyncset.done $0x0  }
0x27c: {  	[sflag:s9] =	ssyncadd.s32 $0xFFFFF800  }
0x27d: {  	_ =	swait.ge [sflag:s9], $0x800  }
0x27e: {  	[sflag:s9] =	ssyncset.done $0x0  }
0x27f: {  	[sflag:s9] =	ssyncadd.s32 $0xFFFFF800  }
0x280: {  	_ =	swait.ge [sflag:s9], $0x800  }
0x281: {  	[sflag:s9] =	ssyncset.done $0x0  }
0x282: {  	[sflag:s9] =	ssyncadd.s32 $0xFFFFF800  }
0x283: {  	_ =	swait.ge [sflag:s9], $0x800  }
0x284: {  	[sflag:s9] =	ssyncset.done $0x0  }
0x285: {  	[sflag:s9] =	ssyncadd.s32 $0xFFFFF800  }
0x286: {  	_ =	swait.ge [sflag:s9], $0x800  }
0x287: {  	[sflag:s9] =	ssyncset.done $0x0  }
0x288: {  	[sflag:s9] =	ssyncadd.s32 $0xFFFFF800  }
0x289: {  	_ =	swait.ge [sflag:s9], $0x800  }
0x28a: {  	[sflag:s9] =	ssyncset.done $0x0  }
0x28b: {  	[sflag:s9] =	ssyncadd.s32 $0xFFFFF800  }
0x28c: {  	p0 =	sne.s32 s11, $0x1F8000;
	_ =	swait.ge [sflag:s9], $0x800  }
.Ltmp2:
0x28d: {  	[sflag:s9] =	ssyncset.done $0x0;
	(pc) =	sbr.rel @p0 .LBB2_6-.Ltmp2, $4  }
0x28e: {  	[sflag:s9] =	ssyncadd.s32 $0xFFFFF800  }
0x28f: {  	_ =	swait.ge [sflag:s9], $0x800  }
0x290: {  	[sflag:s9] =	ssyncset.done $0x0  }
0x291: {  	s11 =	sadd.s32 $0x8000, s11;
	s12 =	sadd.s32 $0xFFFFFFF8, s12;
	[sflag:s9] =	ssyncadd.s32 $0xFFFFF800  }
0x292: {  	s10 =	sadd.s32 $0x1, s10  }
0x293: {  	p0 =	sne.s32 s10, s4  }
.Ltmp3:
0x294: {  	_ = 	snop;
	(pc) =	sbr.rel @p0 .LBB2_1-.Ltmp3, $1  }
0x295: {  	_ =	sdelay $0x3  }
0x296: {  	_ =	sfence.sel $0x180000  }
0x297: {  	[bflag:$0x0] =	sbarrier.arrive $0xFFFF  }
0x298: {  	p0 =	sne.s32 s2, $0x0;
	_ =	strace $0x90000047  }
0x299: {  	s0 =	sadd.s32 @!p0 $0x100000, s0;
	[bflag:$0x2] =	sbarrier.arrive $0xFFFF  }
0x29a: {  	[sflag:s0] =	ssyncadd.tile.s32 @!p0 $0x1;
	_ =	shalt  }
.Lfunc_end2:
_tile_overlayer_lowered:
.L_overlay_start_2:
0x29b: {  	(tag) =	ssettag $0x2  }
0x29c: {  	s0 =	rddreg [dreg:$0x0];
	s2 =	stileid.u32  }
0x29d: {  	s1 =	rddreg [dreg:$0x1];
	p0 =	sne.s32 s2, $0x0  }
0x29e: {  	s3 =	rddreg [dreg:$0x2];
	[bflag:$0x3] =	sbarrier.arrive $0xFFFF;
	s2 =	simm.s32 @!p0 $0x1C02  }
0x29f: {  	[timem:s3], [sflag:s2] =	dma.local @!p0 [hbm:s0], s1  }
0x2a0: {  	s0 =	simm.s32 @!p0 $0x2  }
0x2a1: {  	_ =	swait.ge @!p0 [sflag:s0], s1  }
0x2a2: {  	s1 =	ssub.s32 @!p0 $0x0, s1;
	[sflag:s0] =	ssyncset.done @!p0 $0x0  }
0x2a3: {  	[sflag:s0] =	ssyncadd.s32 @!p0 s1  }
0x2a4: {  	[bflag:$0x3] =	sbarrier.arrive $0xFFFF  }
0x2a5: {  	_ =	shalt  }

</sc_bundles>
